<compile_context>
chip_gen: v7x
topology: tpu7x:2x2x1
jax: 0.10.2.dev20260603
libtpu: 0.0.44.dev20260713+nightly
codegen_flags: <defaults>
</compile_context>

<pallas_src>
import functools

import jax
import jax.numpy as jnp
from jax import lax
from jax.experimental import pallas as pl
from jax.experimental.pallas import tpu as pltpu
from jax.experimental.pallas import tpu_sc as plsc

_VOCAB = 100000
_EMB = 64
_NOISE = 100
_KPAD = 128
_LANES = 128


def _sc_gather(tgt_flat, nidx_pad, embs, lpn):
    n = tgt_flat.shape[0]
    info = plsc.get_sparse_core_info()
    num_workers = info.num_cores * info.num_subcores
    per_w = n // num_workers
    chunks = per_w // _LANES
    group = 10
    groups = chunks // group
    grows = group * _LANES
    mesh = plsc.VectorSubcoreMesh(core_axis_name="c", subcore_axis_name="s")

    @functools.partial(
        pl.kernel,
        mesh=mesh,
        compiler_params=pltpu.CompilerParams(use_tc_tiling_on_sc=False),
        out_type=(
            jax.ShapeDtypeStruct((n, _EMB), jnp.float32),
            jax.ShapeDtypeStruct((n,), jnp.float32),
            jax.ShapeDtypeStruct((_KPAD, _EMB), jnp.float32),
            jax.ShapeDtypeStruct((_KPAD,), jnp.float32),
        ),
        scratch_types=(
            pltpu.VMEM((per_w,), jnp.int32),
            pltpu.VMEM((grows, _EMB), jnp.float32),
            pltpu.VMEM((grows,), jnp.float32),
            pltpu.VMEM((_KPAD,), jnp.int32),
            pltpu.SemaphoreType.DMA,
            pltpu.SemaphoreType.DMA,
        ),
    )
    def k(tgt_hbm, nidx_hbm, embs_hbm, lpn_hbm,
          tb_hbm, qt_hbm, nb_hbm, qn_hbm,
          idx_v, rows_v, qt_v, nidx_v, sem_r, sem_q):
        wid = lax.axis_index("s") * info.num_cores + lax.axis_index("c")
        base = wid * per_w
        pltpu.sync_copy(tgt_hbm.at[pl.ds(base, per_w)], idx_v)

        def body(g, carry):
            g0 = g * grows
            handles = []
            for c in range(group):
                idx = idx_v.at[pl.ds(g0 + c * _LANES, _LANES)]
                dst = rows_v.at[pl.ds(c * _LANES, _LANES)]
                handles.append(pltpu.async_copy(embs_hbm.at[idx], dst, sem_r))
                qdst = qt_v.at[pl.ds(c * _LANES, _LANES)]
                handles.append(pltpu.async_copy(lpn_hbm.at[idx], qdst, sem_q))
            for h in handles:
                h.wait()
            pltpu.sync_copy(rows_v, tb_hbm.at[pl.ds(base + g0, grows)])
            pltpu.sync_copy(qt_v, qt_hbm.at[pl.ds(base + g0, grows)])
            return carry

        lax.fori_loop(0, groups, body, 0)

        @pl.when(wid == 0)
        def _():
            pltpu.sync_copy(nidx_hbm, nidx_v)
            nrows = rows_v.at[pl.ds(0, _KPAD)]
            pltpu.async_copy(embs_hbm.at[nidx_v], nrows, sem_r).wait()
            pltpu.sync_copy(nrows, nb_hbm)
            nqt = qt_v.at[pl.ds(0, _KPAD)]
            pltpu.async_copy(lpn_hbm.at[nidx_v], nqt, sem_q).wait()
            pltpu.sync_copy(nqt, qn_hbm)

    return k(tgt_flat, nidx_pad, embs, lpn)


def _tc_loss(inp, tb3, qt2, nbz, e_last, qn_aug):
    batch, max_len, _ = inp.shape
    n = batch * max_len
    nblk = 32
    bb = batch // nblk

    rows = bb * max_len

    def body(inp_ref, tb_ref, qt_ref, nb_ref, e_ref, qn_ref, out_ref):
        i = pl.program_id(0)
        inp2 = inp_ref[...].reshape(rows, _EMB)
        tb = tb_ref[...]
        qt = qt_ref[...]
        nbv = nb_ref[...]
        ev = e_ref[...]
        qn = qn_ref[...]
        dn = (((1,), (1,)), ((), ()))
        scores = lax.dot_general(inp2, nbv, dn,
                                 preferred_element_type=jnp.float32)
        tsf = lax.dot_general(inp2 * tb, ev, dn,
                              preferred_element_type=jnp.float32)
        s_all = scores + tsf
        l0 = s_all[:, _KPAD - 1:] - qt
        ln = s_all - qn
        m = jnp.maximum(jnp.max(ln, axis=1, keepdims=True), l0)
        ssum = jnp.sum(jnp.exp(ln - m), axis=1, keepdims=True) + \
            jnp.exp(l0 - m)
        lse = m + jnp.log(ssum)
        part = jnp.sum(lse - l0, keepdims=True).reshape(1, 1)

        @pl.when(i == 0)
        def _():
            out_ref[...] = jnp.zeros_like(out_ref)

        out_ref[...] += part

    out = pl.pallas_call(
        body,
        grid=(nblk,),
        in_specs=[
            pl.BlockSpec((bb, max_len, _EMB), lambda i: (i, 0, 0)),
            pl.BlockSpec((rows, _EMB), lambda i: (i, 0)),
            pl.BlockSpec((rows, 1), lambda i: (i, 0)),
            pl.BlockSpec((_KPAD, _EMB), lambda i: (0, 0)),
            pl.BlockSpec((_KPAD, _EMB), lambda i: (0, 0)),
            pl.BlockSpec((1, _KPAD), lambda i: (0, 0)),
        ],
        out_specs=pl.BlockSpec((1, 1), lambda i: (0, 0)),
        out_shape=jax.ShapeDtypeStruct((1, 1), jnp.float32),
    )(inp, tb3, qt2, nbz, e_last, qn_aug)
    return out[0, 0] / n


def kernel(target, input, embs, logprob_noise):
    batch, max_len = target.shape
    n = batch * max_len
    nidx = jax.random.randint(jax.random.key(42), (1, 1, _NOISE), 0, _VOCAB,
                              dtype=jnp.int32)[0, 0]
    nidx_pad = jnp.concatenate(
        [nidx, jnp.zeros((_KPAD - _NOISE,), jnp.int32)])
    tgt_flat = target.reshape(n)
    tb2, qt1, nb, qn = _sc_gather(tgt_flat, nidx_pad, embs, logprob_noise)
    tb3 = tb2
    qt2 = qt1.reshape(n, 1)
    j = jnp.arange(_KPAD)
    nbz = jnp.where((j < _NOISE)[:, None], nb, 0.0)
    e_last = jnp.where((j == _KPAD - 1)[:, None],
                       jnp.ones((_KPAD, _EMB), jnp.float32), 0.0)
    qn_aug = jnp.where(j < _NOISE, qn, 1e30).reshape(1, _KPAD)
    return _tc_loss(input, tb3, qt2, nbz, e_last, qn_aug)

# --- scband reference (transcript-rebuilt; emitter-appended) ---
"""Pipeline reference for scband-ssloss-34720515621671 (READ-ONLY COPY).

The authoritative reference and input builder live on the scoring server;
editing this copy changes nothing except your own understanding.
"""

import jax, jax.numpy as jnp
import numpy as np

VOCAB = 100000
EMB_DIM = 64
BATCH = 4096
MAX_LEN = 50
NOISE_RATIO = 100


def setup_inputs(seed: int = 0) -> dict:
    key = jax.random.key(seed)
    k1, k2, k3 = jax.random.split(key, 3)
    target = jax.random.randint(k1, (BATCH, MAX_LEN), 0, VOCAB, dtype=jnp.int32)
    inp = jax.random.normal(k2, (BATCH, MAX_LEN, EMB_DIM), dtype=jnp.float32)
    embs = jax.random.normal(k3, (VOCAB, EMB_DIM), dtype=jnp.float32)
    # uniform noise distribution -> update_noise math
    probs = jnp.full((VOCAB,), 1.0 / VOCAB, dtype=jnp.float32)
    probs = jnp.clip(probs, 1e-10, None)
    probs = probs / probs.sum()
    logprob_noise = jnp.log(probs)
    return {"target": target, "input": inp, "embs": embs, "logprob_noise": logprob_noise}


def _draw_noise(batch, max_len):
    # With a uniform noise distribution the alias table is prob=1, alias=0,
    # so AliasMultinomial.draw reduces to a uniform randint over the vocab.
    kk = jax.random.randint(jax.random.key(42), (1, 1, NOISE_RATIO), 0, VOCAB, dtype=jnp.int32)
    return jnp.broadcast_to(kk, (batch, max_len, NOISE_RATIO))


def reference(target, input, embs, logprob_noise):
    batch, max_len = target.shape
    noise_samples = _draw_noise(batch, max_len)
    logit_noise_in_noise = logprob_noise[noise_samples.reshape(-1)].reshape(noise_samples.shape)
    logit_target_in_noise = logprob_noise[target.reshape(-1)].reshape(target.shape)
    # get_score
    inp2 = input.reshape(-1, input.shape[-1])
    tgt = target.reshape(-1)
    nidx = noise_samples[0, 0].reshape(-1)
    target_batch = jnp.take(embs, tgt, axis=0)
    target_score = jnp.sum(inp2 * target_batch, axis=1).reshape(batch, max_len)
    noise_batch = jnp.take(embs, nidx, axis=0)
    noise_score = jnp.matmul(inp2, noise_batch.T).reshape(batch, max_len, -1)
    # sampled_softmax_loss
    ori_logits = jnp.concatenate([target_score[..., None], noise_score], axis=2)
    q_logits = jnp.concatenate([logit_target_in_noise[..., None], logit_noise_in_noise], axis=2)
    logits = ori_logits - q_logits
    # cross-entropy with label 0 per position, reduction='none' then mean
    logz = jax.nn.logsumexp(logits, axis=2)
    loss = logz - logits[..., 0]
    return loss.mean()

if __name__ == "__main__":
    import jax
    _d = setup_inputs()
    print(jax.jit(kernel)(*tuple(_d.values())))

</pallas_src>

<mosaic_0001>
#map = affine_map<(d0, d1) -> (0)>
#map1 = affine_map<(d0, d1) -> (0, 0)>
module attributes {stable_mosaic.version = 14 : i64} {
  func.func @k(%arg0: i32, %arg1: i32, %arg2: memref<204800xi32, #tpu.memory_space<hbm>>, %arg3: memref<128xi32, #tpu.memory_space<hbm>>, %arg4: memref<100000x64xf32, #tpu.memory_space<hbm>>, %arg5: memref<100000xf32, #tpu.memory_space<hbm>>, %arg6: memref<204800x64xf32, #tpu.memory_space<hbm>>, %arg7: memref<204800xf32, #tpu.memory_space<hbm>>, %arg8: memref<128x64xf32, #tpu.memory_space<hbm>>, %arg9: memref<128xf32, #tpu.memory_space<hbm>>, %arg10: memref<6400xi32, #tpu.memory_space<vmem>>, %arg11: memref<1280x64xf32, #tpu.memory_space<vmem>>, %arg12: memref<1280xf32, #tpu.memory_space<vmem>>, %arg13: memref<128xi32, #tpu.memory_space<vmem>>, %arg14: memref<!tpu.dma_semaphore, #tpu.memory_space<semaphore_mem>>, %arg15: memref<!tpu.dma_semaphore, #tpu.memory_space<semaphore_mem>>) attributes {dimension_semantics = [#tpu.dimension_semantics<core_parallel>, #tpu.dimension_semantics<subcore_parallel>], iteration_bounds = array<i64: 2, 16>, scalar_prefetch = 0 : i64, scratch_operands = 6 : i64, tpu.core_type = #tpu.core_type<sc_vector_subcore>, window_params = [{transform_indices = #map}, {transform_indices = #map}, {transform_indices = #map1}, {transform_indices = #map}, {transform_indices = #map1}, {transform_indices = #map}, {transform_indices = #map1}, {transform_indices = #map}]} {
    %mul3A = arith.constant 2 : i32
    %mul3A_0 = arith.muli %arg1, %mul3A : i32
    %add3A = arith.addi %mul3A_0, %arg0 : i32
    %mul3A_1 = arith.constant 6400 : i32
    %mul3A_2 = arith.muli %add3A, %mul3A_1 : i32
    "tpu.region"() ({
      %run_scoped3A = tpu.sem_alloc : memref<!tpu.dma_semaphore, #tpu.memory_space<semaphore_mem>>
      %dma_start3A = tpu.memref_slice %arg2[%mul3A_2] : memref<204800xi32, #tpu.memory_space<hbm>> -> memref<6400xi32, #tpu.memory_space<hbm>>
      %dma_start3A_10 = tpu.memref_slice %arg2[%mul3A_2] : memref<204800xi32, #tpu.memory_space<hbm>> -> memref<6400xi32, #tpu.memory_space<hbm>>
      tpu.enqueue_dma source(%dma_start3A_10 : memref<6400xi32, #tpu.memory_space<hbm>>) target(%arg10 : memref<6400xi32, #tpu.memory_space<vmem>>) target_semaphore(%run_scoped3A : memref<!tpu.dma_semaphore, #tpu.memory_space<semaphore_mem>>)
      %dma_wait3A = tpu.memref_slice %arg2[%mul3A_2] : memref<204800xi32, #tpu.memory_space<hbm>> -> memref<6400xi32, #tpu.memory_space<hbm>>
      %dma_wait3A_11 = tpu.memref_slice %arg2[%mul3A_2] : memref<204800xi32, #tpu.memory_space<hbm>> -> memref<6400xi32, #tpu.memory_space<hbm>>
      tpu.wait_dma2 semaphore(%run_scoped3A : memref<!tpu.dma_semaphore, #tpu.memory_space<semaphore_mem>>) src(%dma_wait3A_11 : memref<6400xi32, #tpu.memory_space<hbm>>) dst(%arg10 : memref<6400xi32, #tpu.memory_space<vmem>>)
      tpu.yield
    }) : () -> ()
    %scan3A = arith.constant 0 : i32
    %scan3A_3 = arith.constant 0 : i32
    %scan3A_4 = arith.constant 5 : i32
    %scan3A_5 = arith.addi %scan3A_3, %scan3A_4 : i32
    %scan3A_6 = arith.constant 1 : i32
    scf.for %scan3A_10 = %scan3A_3 to %scan3A_5 step %scan3A_6  : i32 {
      %mul3A_11 = arith.constant 1280 : i32
      %mul3A_12 = arith.muli %scan3A_10, %mul3A_11 : i32
      %add3A_13 = arith.constant 0 : i32
      %add3A_14 = arith.addi %mul3A_12, %add3A_13 : i32
      %dma_start3A = arith.constant 0 : i32
      %dma_start3A_15 = arith.constant 0 : i32
      %dma_start3A_16 = tpu.memref_slice %arg11[%dma_start3A, %dma_start3A_15] : memref<1280x64xf32, #tpu.memory_space<vmem>> -> memref<128x64xf32, #tpu.memory_space<vmem>>
      %dma_start3A_17 = tpu.memref_slice %arg10[%add3A_14] : memref<6400xi32, #tpu.memory_space<vmem>> -> memref<128xi32, #tpu.memory_space<vmem>>
      %dma_start3A_18 = arith.constant 0 : i32
      %dma_start3A_19 = arith.constant 0 : i32
      %dma_start3A_20 = tpu.memref_slice %arg4[%dma_start3A_18, %dma_start3A_19] : memref<100000x64xf32, #tpu.memory_space<hbm>> -> memref<100000x64xf32, #tpu.memory_space<hbm>>
      tpu.enqueue_indirect_dma source(%dma_start3A_20 : memref<100000x64xf32, #tpu.memory_space<hbm>>) target(%dma_start3A_16 : memref<128x64xf32, #tpu.memory_space<vmem>>) offsets(%dma_start3A_17 : memref<128xi32, #tpu.memory_space<vmem>>) semaphore(%arg14 : memref<!tpu.dma_semaphore, #tpu.memory_space<semaphore_mem>>)
      %dma_start3A_21 = arith.constant 0 : i32
      %dma_start3A_22 = tpu.memref_slice %arg12[%dma_start3A_21] : memref<1280xf32, #tpu.memory_space<vmem>> -> memref<128xf32, #tpu.memory_space<vmem>>
      %dma_start3A_23 = tpu.memref_slice %arg10[%add3A_14] : memref<6400xi32, #tpu.memory_space<vmem>> -> memref<128xi32, #tpu.memory_space<vmem>>
      %dma_start3A_24 = arith.constant 0 : i32
      %dma_start3A_25 = tpu.memref_slice %arg5[%dma_start3A_24] : memref<100000xf32, #tpu.memory_space<hbm>> -> memref<100000xf32, #tpu.memory_space<hbm>>
      tpu.enqueue_indirect_dma source(%dma_start3A_25 : memref<100000xf32, #tpu.memory_space<hbm>>) target(%dma_start3A_22 : memref<128xf32, #tpu.memory_space<vmem>>) offsets(%dma_start3A_23 : memref<128xi32, #tpu.memory_space<vmem>>) semaphore(%arg15 : memref<!tpu.dma_semaphore, #tpu.memory_space<semaphore_mem>>)
      %add3A_26 = arith.constant 128 : i32
      %add3A_27 = arith.addi %mul3A_12, %add3A_26 : i32
      %dma_start3A_28 = arith.constant 128 : i32
      %dma_start3A_29 = arith.constant 0 : i32
      %dma_start3A_30 = tpu.memref_slice %arg11[%dma_start3A_28, %dma_start3A_29] : memref<1280x64xf32, #tpu.memory_space<vmem>> -> memref<128x64xf32, #tpu.memory_space<vmem>>
      %dma_start3A_31 = tpu.memref_slice %arg10[%add3A_27] : memref<6400xi32, #tpu.memory_space<vmem>> -> memref<128xi32, #tpu.memory_space<vmem>>
      %dma_start3A_32 = arith.constant 0 : i32
      %dma_start3A_33 = arith.constant 0 : i32
      %dma_start3A_34 = tpu.memref_slice %arg4[%dma_start3A_32, %dma_start3A_33] : memref<100000x64xf32, #tpu.memory_space<hbm>> -> memref<100000x64xf32, #tpu.memory_space<hbm>>
      tpu.enqueue_indirect_dma source(%dma_start3A_34 : memref<100000x64xf32, #tpu.memory_space<hbm>>) target(%dma_start3A_30 : memref<128x64xf32, #tpu.memory_space<vmem>>) offsets(%dma_start3A_31 : memref<128xi32, #tpu.memory_space<vmem>>) semaphore(%arg14 : memref<!tpu.dma_semaphore, #tpu.memory_space<semaphore_mem>>)
      %dma_start3A_35 = arith.constant 128 : i32
      %dma_start3A_36 = tpu.memref_slice %arg12[%dma_start3A_35] : memref<1280xf32, #tpu.memory_space<vmem>> -> memref<128xf32, #tpu.memory_space<vmem>>
      %dma_start3A_37 = tpu.memref_slice %arg10[%add3A_27] : memref<6400xi32, #tpu.memory_space<vmem>> -> memref<128xi32, #tpu.memory_space<vmem>>
      %dma_start3A_38 = arith.constant 0 : i32
      %dma_start3A_39 = tpu.memref_slice %arg5[%dma_start3A_38] : memref<100000xf32, #tpu.memory_space<hbm>> -> memref<100000xf32, #tpu.memory_space<hbm>>
      tpu.enqueue_indirect_dma source(%dma_start3A_39 : memref<100000xf32, #tpu.memory_space<hbm>>) target(%dma_start3A_36 : memref<128xf32, #tpu.memory_space<vmem>>) offsets(%dma_start3A_37 : memref<128xi32, #tpu.memory_space<vmem>>) semaphore(%arg15 : memref<!tpu.dma_semaphore, #tpu.memory_space<semaphore_mem>>)
      %add3A_40 = arith.constant 256 : i32
      %add3A_41 = arith.addi %mul3A_12, %add3A_40 : i32
      %dma_start3A_42 = arith.constant 256 : i32
      %dma_start3A_43 = arith.constant 0 : i32
      %dma_start3A_44 = tpu.memref_slice %arg11[%dma_start3A_42, %dma_start3A_43] : memref<1280x64xf32, #tpu.memory_space<vmem>> -> memref<128x64xf32, #tpu.memory_space<vmem>>
      %dma_start3A_45 = tpu.memref_slice %arg10[%add3A_41] : memref<6400xi32, #tpu.memory_space<vmem>> -> memref<128xi32, #tpu.memory_space<vmem>>
      %dma_start3A_46 = arith.constant 0 : i32
      %dma_start3A_47 = arith.constant 0 : i32
      %dma_start3A_48 = tpu.memref_slice %arg4[%dma_start3A_46, %dma_start3A_47] : memref<100000x64xf32, #tpu.memory_space<hbm>> -> memref<100000x64xf32, #tpu.memory_space<hbm>>
      tpu.enqueue_indirect_dma source(%dma_start3A_48 : memref<100000x64xf32, #tpu.memory_space<hbm>>) target(%dma_start3A_44 : memref<128x64xf32, #tpu.memory_space<vmem>>) offsets(%dma_start3A_45 : memref<128xi32, #tpu.memory_space<vmem>>) semaphore(%arg14 : memref<!tpu.dma_semaphore, #tpu.memory_space<semaphore_mem>>)
      %dma_start3A_49 = arith.constant 256 : i32
      %dma_start3A_50 = tpu.memref_slice %arg12[%dma_start3A_49] : memref<1280xf32, #tpu.memory_space<vmem>> -> memref<128xf32, #tpu.memory_space<vmem>>
      %dma_start3A_51 = tpu.memref_slice %arg10[%add3A_41] : memref<6400xi32, #tpu.memory_space<vmem>> -> memref<128xi32, #tpu.memory_space<vmem>>
      %dma_start3A_52 = arith.constant 0 : i32
      %dma_start3A_53 = tpu.memref_slice %arg5[%dma_start3A_52] : memref<100000xf32, #tpu.memory_space<hbm>> -> memref<100000xf32, #tpu.memory_space<hbm>>
      tpu.enqueue_indirect_dma source(%dma_start3A_53 : memref<100000xf32, #tpu.memory_space<hbm>>) target(%dma_start3A_50 : memref<128xf32, #tpu.memory_space<vmem>>) offsets(%dma_start3A_51 : memref<128xi32, #tpu.memory_space<vmem>>) semaphore(%arg15 : memref<!tpu.dma_semaphore, #tpu.memory_space<semaphore_mem>>)
      %add3A_54 = arith.constant 384 : i32
      %add3A_55 = arith.addi %mul3A_12, %add3A_54 : i32
      %dma_start3A_56 = arith.constant 384 : i32
      %dma_start3A_57 = arith.constant 0 : i32
      %dma_start3A_58 = tpu.memref_slice %arg11[%dma_start3A_56, %dma_start3A_57] : memref<1280x64xf32, #tpu.memory_space<vmem>> -> memref<128x64xf32, #tpu.memory_space<vmem>>
      %dma_start3A_59 = tpu.memref_slice %arg10[%add3A_55] : memref<6400xi32, #tpu.memory_space<vmem>> -> memref<128xi32, #tpu.memory_space<vmem>>
      %dma_start3A_60 = arith.constant 0 : i32
      %dma_start3A_61 = arith.constant 0 : i32
      %dma_start3A_62 = tpu.memref_slice %arg4[%dma_start3A_60, %dma_start3A_61] : memref<100000x64xf32, #tpu.memory_space<hbm>> -> memref<100000x64xf32, #tpu.memory_space<hbm>>
      tpu.enqueue_indirect_dma source(%dma_start3A_62 : memref<100000x64xf32, #tpu.memory_space<hbm>>) target(%dma_start3A_58 : memref<128x64xf32, #tpu.memory_space<vmem>>) offsets(%dma_start3A_59 : memref<128xi32, #tpu.memory_space<vmem>>) semaphore(%arg14 : memref<!tpu.dma_semaphore, #tpu.memory_space<semaphore_mem>>)
      %dma_start3A_63 = arith.constant 384 : i32
      %dma_start3A_64 = tpu.memref_slice %arg12[%dma_start3A_63] : memref<1280xf32, #tpu.memory_space<vmem>> -> memref<128xf32, #tpu.memory_space<vmem>>
      %dma_start3A_65 = tpu.memref_slice %arg10[%add3A_55] : memref<6400xi32, #tpu.memory_space<vmem>> -> memref<128xi32, #tpu.memory_space<vmem>>
      %dma_start3A_66 = arith.constant 0 : i32
      %dma_start3A_67 = tpu.memref_slice %arg5[%dma_start3A_66] : memref<100000xf32, #tpu.memory_space<hbm>> -> memref<100000xf32, #tpu.memory_space<hbm>>
      tpu.enqueue_indirect_dma source(%dma_start3A_67 : memref<100000xf32, #tpu.memory_space<hbm>>) target(%dma_start3A_64 : memref<128xf32, #tpu.memory_space<vmem>>) offsets(%dma_start3A_65 : memref<128xi32, #tpu.memory_space<vmem>>) semaphore(%arg15 : memref<!tpu.dma_semaphore, #tpu.memory_space<semaphore_mem>>)
      %add3A_68 = arith.constant 512 : i32
      %add3A_69 = arith.addi %mul3A_12, %add3A_68 : i32
      %dma_start3A_70 = arith.constant 512 : i32
      %dma_start3A_71 = arith.constant 0 : i32
      %dma_start3A_72 = tpu.memref_slice %arg11[%dma_start3A_70, %dma_start3A_71] : memref<1280x64xf32, #tpu.memory_space<vmem>> -> memref<128x64xf32, #tpu.memory_space<vmem>>
      %dma_start3A_73 = tpu.memref_slice %arg10[%add3A_69] : memref<6400xi32, #tpu.memory_space<vmem>> -> memref<128xi32, #tpu.memory_space<vmem>>
      %dma_start3A_74 = arith.constant 0 : i32
      %dma_start3A_75 = arith.constant 0 : i32
      %dma_start3A_76 = tpu.memref_slice %arg4[%dma_start3A_74, %dma_start3A_75] : memref<100000x64xf32, #tpu.memory_space<hbm>> -> memref<100000x64xf32, #tpu.memory_space<hbm>>
      tpu.enqueue_indirect_dma source(%dma_start3A_76 : memref<100000x64xf32, #tpu.memory_space<hbm>>) target(%dma_start3A_72 : memref<128x64xf32, #tpu.memory_space<vmem>>) offsets(%dma_start3A_73 : memref<128xi32, #tpu.memory_space<vmem>>) semaphore(%arg14 : memref<!tpu.dma_semaphore, #tpu.memory_space<semaphore_mem>>)
      %dma_start3A_77 = arith.constant 512 : i32
      %dma_start3A_78 = tpu.memref_slice %arg12[%dma_start3A_77] : memref<1280xf32, #tpu.memory_space<vmem>> -> memref<128xf32, #tpu.memory_space<vmem>>
      %dma_start3A_79 = tpu.memref_slice %arg10[%add3A_69] : memref<6400xi32, #tpu.memory_space<vmem>> -> memref<128xi32, #tpu.memory_space<vmem>>
      %dma_start3A_80 = arith.constant 0 : i32
      %dma_start3A_81 = tpu.memref_slice %arg5[%dma_start3A_80] : memref<100000xf32, #tpu.memory_space<hbm>> -> memref<100000xf32, #tpu.memory_space<hbm>>
      tpu.enqueue_indirect_dma source(%dma_start3A_81 : memref<100000xf32, #tpu.memory_space<hbm>>) target(%dma_start3A_78 : memref<128xf32, #tpu.memory_space<vmem>>) offsets(%dma_start3A_79 : memref<128xi32, #tpu.memory_space<vmem>>) semaphore(%arg15 : memref<!tpu.dma_semaphore, #tpu.memory_space<semaphore_mem>>)
      %add3A_82 = arith.constant 640 : i32
      %add3A_83 = arith.addi %mul3A_12, %add3A_82 : i32
      %dma_start3A_84 = arith.constant 640 : i32
      %dma_start3A_85 = arith.constant 0 : i32
      %dma_start3A_86 = tpu.memref_slice %arg11[%dma_start3A_84, %dma_start3A_85] : memref<1280x64xf32, #tpu.memory_space<vmem>> -> memref<128x64xf32, #tpu.memory_space<vmem>>
      %dma_start3A_87 = tpu.memref_slice %arg10[%add3A_83] : memref<6400xi32, #tpu.memory_space<vmem>> -> memref<128xi32, #tpu.memory_space<vmem>>
      %dma_start3A_88 = arith.constant 0 : i32
      %dma_start3A_89 = arith.constant 0 : i32
      %dma_start3A_90 = tpu.memref_slice %arg4[%dma_start3A_88, %dma_start3A_89] : memref<100000x64xf32, #tpu.memory_space<hbm>> -> memref<100000x64xf32, #tpu.memory_space<hbm>>
      tpu.enqueue_indirect_dma source(%dma_start3A_90 : memref<100000x64xf32, #tpu.memory_space<hbm>>) target(%dma_start3A_86 : memref<128x64xf32, #tpu.memory_space<vmem>>) offsets(%dma_start3A_87 : memref<128xi32, #tpu.memory_space<vmem>>) semaphore(%arg14 : memref<!tpu.dma_semaphore, #tpu.memory_space<semaphore_mem>>)
      %dma_start3A_91 = arith.constant 640 : i32
      %dma_start3A_92 = tpu.memref_slice %arg12[%dma_start3A_91] : memref<1280xf32, #tpu.memory_space<vmem>> -> memref<128xf32, #tpu.memory_space<vmem>>
      %dma_start3A_93 = tpu.memref_slice %arg10[%add3A_83] : memref<6400xi32, #tpu.memory_space<vmem>> -> memref<128xi32, #tpu.memory_space<vmem>>
      %dma_start3A_94 = arith.constant 0 : i32
      %dma_start3A_95 = tpu.memref_slice %arg5[%dma_start3A_94] : memref<100000xf32, #tpu.memory_space<hbm>> -> memref<100000xf32, #tpu.memory_space<hbm>>
      tpu.enqueue_indirect_dma source(%dma_start3A_95 : memref<100000xf32, #tpu.memory_space<hbm>>) target(%dma_start3A_92 : memref<128xf32, #tpu.memory_space<vmem>>) offsets(%dma_start3A_93 : memref<128xi32, #tpu.memory_space<vmem>>) semaphore(%arg15 : memref<!tpu.dma_semaphore, #tpu.memory_space<semaphore_mem>>)
      %add3A_96 = arith.constant 768 : i32
      %add3A_97 = arith.addi %mul3A_12, %add3A_96 : i32
      %dma_start3A_98 = arith.constant 768 : i32
      %dma_start3A_99 = arith.constant 0 : i32
      %dma_start3A_100 = tpu.memref_slice %arg11[%dma_start3A_98, %dma_start3A_99] : memref<1280x64xf32, #tpu.memory_space<vmem>> -> memref<128x64xf32, #tpu.memory_space<vmem>>
      %dma_start3A_101 = tpu.memref_slice %arg10[%add3A_97] : memref<6400xi32, #tpu.memory_space<vmem>> -> memref<128xi32, #tpu.memory_space<vmem>>
      %dma_start3A_102 = arith.constant 0 : i32
      %dma_start3A_103 = arith.constant 0 : i32
      %dma_start3A_104 = tpu.memref_slice %arg4[%dma_start3A_102, %dma_start3A_103] : memref<100000x64xf32, #tpu.memory_space<hbm>> -> memref<100000x64xf32, #tpu.memory_space<hbm>>
      tpu.enqueue_indirect_dma source(%dma_start3A_104 : memref<100000x64xf32, #tpu.memory_space<hbm>>) target(%dma_start3A_100 : memref<128x64xf32, #tpu.memory_space<vmem>>) offsets(%dma_start3A_101 : memref<128xi32, #tpu.memory_space<vmem>>) semaphore(%arg14 : memref<!tpu.dma_semaphore, #tpu.memory_space<semaphore_mem>>)
      %dma_start3A_105 = arith.constant 768 : i32
      %dma_start3A_106 = tpu.memref_slice %arg12[%dma_start3A_105] : memref<1280xf32, #tpu.memory_space<vmem>> -> memref<128xf32, #tpu.memory_space<vmem>>
      %dma_start3A_107 = tpu.memref_slice %arg10[%add3A_97] : memref<6400xi32, #tpu.memory_space<vmem>> -> memref<128xi32, #tpu.memory_space<vmem>>
      %dma_start3A_108 = arith.constant 0 : i32
      %dma_start3A_109 = tpu.memref_slice %arg5[%dma_start3A_108] : memref<100000xf32, #tpu.memory_space<hbm>> -> memref<100000xf32, #tpu.memory_space<hbm>>
      tpu.enqueue_indirect_dma source(%dma_start3A_109 : memref<100000xf32, #tpu.memory_space<hbm>>) target(%dma_start3A_106 : memref<128xf32, #tpu.memory_space<vmem>>) offsets(%dma_start3A_107 : memref<128xi32, #tpu.memory_space<vmem>>) semaphore(%arg15 : memref<!tpu.dma_semaphore, #tpu.memory_space<semaphore_mem>>)
      %add3A_110 = arith.constant 896 : i32
      %add3A_111 = arith.addi %mul3A_12, %add3A_110 : i32
      %dma_start3A_112 = arith.constant 896 : i32
      %dma_start3A_113 = arith.constant 0 : i32
      %dma_start3A_114 = tpu.memref_slice %arg11[%dma_start3A_112, %dma_start3A_113] : memref<1280x64xf32, #tpu.memory_space<vmem>> -> memref<128x64xf32, #tpu.memory_space<vmem>>
      %dma_start3A_115 = tpu.memref_slice %arg10[%add3A_111] : memref<6400xi32, #tpu.memory_space<vmem>> -> memref<128xi32, #tpu.memory_space<vmem>>
      %dma_start3A_116 = arith.constant 0 : i32
      %dma_start3A_117 = arith.constant 0 : i32
      %dma_start3A_118 = tpu.memref_slice %arg4[%dma_start3A_116, %dma_start3A_117] : memref<100000x64xf32, #tpu.memory_space<hbm>> -> memref<100000x64xf32, #tpu.memory_space<hbm>>
      tpu.enqueue_indirect_dma source(%dma_start3A_118 : memref<100000x64xf32, #tpu.memory_space<hbm>>) target(%dma_start3A_114 : memref<128x64xf32, #tpu.memory_space<vmem>>) offsets(%dma_start3A_115 : memref<128xi32, #tpu.memory_space<vmem>>) semaphore(%arg14 : memref<!tpu.dma_semaphore, #tpu.memory_space<semaphore_mem>>)
      %dma_start3A_119 = arith.constant 896 : i32
      %dma_start3A_120 = tpu.memref_slice %arg12[%dma_start3A_119] : memref<1280xf32, #tpu.memory_space<vmem>> -> memref<128xf32, #tpu.memory_space<vmem>>
      %dma_start3A_121 = tpu.memref_slice %arg10[%add3A_111] : memref<6400xi32, #tpu.memory_space<vmem>> -> memref<128xi32, #tpu.memory_space<vmem>>
      %dma_start3A_122 = arith.constant 0 : i32
      %dma_start3A_123 = tpu.memref_slice %arg5[%dma_start3A_122] : memref<100000xf32, #tpu.memory_space<hbm>> -> memref<100000xf32, #tpu.memory_space<hbm>>
      tpu.enqueue_indirect_dma source(%dma_start3A_123 : memref<100000xf32, #tpu.memory_space<hbm>>) target(%dma_start3A_120 : memref<128xf32, #tpu.memory_space<vmem>>) offsets(%dma_start3A_121 : memref<128xi32, #tpu.memory_space<vmem>>) semaphore(%arg15 : memref<!tpu.dma_semaphore, #tpu.memory_space<semaphore_mem>>)
      %add3A_124 = arith.constant 1024 : i32
      %add3A_125 = arith.addi %mul3A_12, %add3A_124 : i32
      %dma_start3A_126 = arith.constant 1024 : i32
      %dma_start3A_127 = arith.constant 0 : i32
      %dma_start3A_128 = tpu.memref_slice %arg11[%dma_start3A_126, %dma_start3A_127] : memref<1280x64xf32, #tpu.memory_space<vmem>> -> memref<128x64xf32, #tpu.memory_space<vmem>>
      %dma_start3A_129 = tpu.memref_slice %arg10[%add3A_125] : memref<6400xi32, #tpu.memory_space<vmem>> -> memref<128xi32, #tpu.memory_space<vmem>>
      %dma_start3A_130 = arith.constant 0 : i32
      %dma_start3A_131 = arith.constant 0 : i32
      %dma_start3A_132 = tpu.memref_slice %arg4[%dma_start3A_130, %dma_start3A_131] : memref<100000x64xf32, #tpu.memory_space<hbm>> -> memref<100000x64xf32, #tpu.memory_space<hbm>>
      tpu.enqueue_indirect_dma source(%dma_start3A_132 : memref<100000x64xf32, #tpu.memory_space<hbm>>) target(%dma_start3A_128 : memref<128x64xf32, #tpu.memory_space<vmem>>) offsets(%dma_start3A_129 : memref<128xi32, #tpu.memory_space<vmem>>) semaphore(%arg14 : memref<!tpu.dma_semaphore, #tpu.memory_space<semaphore_mem>>)
      %dma_start3A_133 = arith.constant 1024 : i32
      %dma_start3A_134 = tpu.memref_slice %arg12[%dma_start3A_133] : memref<1280xf32, #tpu.memory_space<vmem>> -> memref<128xf32, #tpu.memory_space<vmem>>
      %dma_start3A_135 = tpu.memref_slice %arg10[%add3A_125] : memref<6400xi32, #tpu.memory_space<vmem>> -> memref<128xi32, #tpu.memory_space<vmem>>
      %dma_start3A_136 = arith.constant 0 : i32
      %dma_start3A_137 = tpu.memref_slice %arg5[%dma_start3A_136] : memref<100000xf32, #tpu.memory_space<hbm>> -> memref<100000xf32, #tpu.memory_space<hbm>>
      tpu.enqueue_indirect_dma source(%dma_start3A_137 : memref<100000xf32, #tpu.memory_space<hbm>>) target(%dma_start3A_134 : memref<128xf32, #tpu.memory_space<vmem>>) offsets(%dma_start3A_135 : memref<128xi32, #tpu.memory_space<vmem>>) semaphore(%arg15 : memref<!tpu.dma_semaphore, #tpu.memory_space<semaphore_mem>>)
      %add3A_138 = arith.constant 1152 : i32
      %add3A_139 = arith.addi %mul3A_12, %add3A_138 : i32
      %dma_start3A_140 = arith.constant 1152 : i32
      %dma_start3A_141 = arith.constant 0 : i32
      %dma_start3A_142 = tpu.memref_slice %arg11[%dma_start3A_140, %dma_start3A_141] : memref<1280x64xf32, #tpu.memory_space<vmem>> -> memref<128x64xf32, #tpu.memory_space<vmem>>
      %dma_start3A_143 = tpu.memref_slice %arg10[%add3A_139] : memref<6400xi32, #tpu.memory_space<vmem>> -> memref<128xi32, #tpu.memory_space<vmem>>
      %dma_start3A_144 = arith.constant 0 : i32
      %dma_start3A_145 = arith.constant 0 : i32
      %dma_start3A_146 = tpu.memref_slice %arg4[%dma_start3A_144, %dma_start3A_145] : memref<100000x64xf32, #tpu.memory_space<hbm>> -> memref<100000x64xf32, #tpu.memory_space<hbm>>
      tpu.enqueue_indirect_dma source(%dma_start3A_146 : memref<100000x64xf32, #tpu.memory_space<hbm>>) target(%dma_start3A_142 : memref<128x64xf32, #tpu.memory_space<vmem>>) offsets(%dma_start3A_143 : memref<128xi32, #tpu.memory_space<vmem>>) semaphore(%arg14 : memref<!tpu.dma_semaphore, #tpu.memory_space<semaphore_mem>>)
      %dma_start3A_147 = arith.constant 1152 : i32
      %dma_start3A_148 = tpu.memref_slice %arg12[%dma_start3A_147] : memref<1280xf32, #tpu.memory_space<vmem>> -> memref<128xf32, #tpu.memory_space<vmem>>
      %dma_start3A_149 = tpu.memref_slice %arg10[%add3A_139] : memref<6400xi32, #tpu.memory_space<vmem>> -> memref<128xi32, #tpu.memory_space<vmem>>
      %dma_start3A_150 = arith.constant 0 : i32
      %dma_start3A_151 = tpu.memref_slice %arg5[%dma_start3A_150] : memref<100000xf32, #tpu.memory_space<hbm>> -> memref<100000xf32, #tpu.memory_space<hbm>>
      tpu.enqueue_indirect_dma source(%dma_start3A_151 : memref<100000xf32, #tpu.memory_space<hbm>>) target(%dma_start3A_148 : memref<128xf32, #tpu.memory_space<vmem>>) offsets(%dma_start3A_149 : memref<128xi32, #tpu.memory_space<vmem>>) semaphore(%arg15 : memref<!tpu.dma_semaphore, #tpu.memory_space<semaphore_mem>>)
      %dma_wait3A = arith.constant 0 : i32
      %dma_wait3A_152 = arith.constant 0 : i32
      %dma_wait3A_153 = tpu.memref_slice %arg11[%dma_wait3A, %dma_wait3A_152] : memref<1280x64xf32, #tpu.memory_space<vmem>> -> memref<128x64xf32, #tpu.memory_space<vmem>>
      %dma_wait3A_154 = tpu.memref_slice %arg10[%add3A_14] : memref<6400xi32, #tpu.memory_space<vmem>> -> memref<128xi32, #tpu.memory_space<vmem>>
      %dma_wait3A_155 = arith.constant 0 : i32
      %dma_wait3A_156 = arith.constant 0 : i32
      %dma_wait3A_157 = tpu.memref_slice %arg4[%dma_wait3A_155, %dma_wait3A_156] : memref<100000x64xf32, #tpu.memory_space<hbm>> -> memref<100000x64xf32, #tpu.memory_space<hbm>>
      tpu.wait_indirect_dma semaphore(%arg14 : memref<!tpu.dma_semaphore, #tpu.memory_space<semaphore_mem>>) src(%dma_wait3A_157 : memref<100000x64xf32, #tpu.memory_space<hbm>>) dst(%dma_wait3A_153 : memref<128x64xf32, #tpu.memory_space<vmem>>)
      %dma_wait3A_158 = arith.constant 0 : i32
      %dma_wait3A_159 = tpu.memref_slice %arg12[%dma_wait3A_158] : memref<1280xf32, #tpu.memory_space<vmem>> -> memref<128xf32, #tpu.memory_space<vmem>>
      %dma_wait3A_160 = tpu.memref_slice %arg10[%add3A_14] : memref<6400xi32, #tpu.memory_space<vmem>> -> memref<128xi32, #tpu.memory_space<vmem>>
      %dma_wait3A_161 = arith.constant 0 : i32
      %dma_wait3A_162 = tpu.memref_slice %arg5[%dma_wait3A_161] : memref<100000xf32, #tpu.memory_space<hbm>> -> memref<100000xf32, #tpu.memory_space<hbm>>
      tpu.wait_indirect_dma semaphore(%arg15 : memref<!tpu.dma_semaphore, #tpu.memory_space<semaphore_mem>>) src(%dma_wait3A_162 : memref<100000xf32, #tpu.memory_space<hbm>>) dst(%dma_wait3A_159 : memref<128xf32, #tpu.memory_space<vmem>>)
      %dma_wait3A_163 = arith.constant 128 : i32
      %dma_wait3A_164 = arith.constant 0 : i32
      %dma_wait3A_165 = tpu.memref_slice %arg11[%dma_wait3A_163, %dma_wait3A_164] : memref<1280x64xf32, #tpu.memory_space<vmem>> -> memref<128x64xf32, #tpu.memory_space<vmem>>
      %dma_wait3A_166 = tpu.memref_slice %arg10[%add3A_27] : memref<6400xi32, #tpu.memory_space<vmem>> -> memref<128xi32, #tpu.memory_space<vmem>>
      %dma_wait3A_167 = arith.constant 0 : i32
      %dma_wait3A_168 = arith.constant 0 : i32
      %dma_wait3A_169 = tpu.memref_slice %arg4[%dma_wait3A_167, %dma_wait3A_168] : memref<100000x64xf32, #tpu.memory_space<hbm>> -> memref<100000x64xf32, #tpu.memory_space<hbm>>
      tpu.wait_indirect_dma semaphore(%arg14 : memref<!tpu.dma_semaphore, #tpu.memory_space<semaphore_mem>>) src(%dma_wait3A_169 : memref<100000x64xf32, #tpu.memory_space<hbm>>) dst(%dma_wait3A_165 : memref<128x64xf32, #tpu.memory_space<vmem>>)
      %dma_wait3A_170 = arith.constant 128 : i32
      %dma_wait3A_171 = tpu.memref_slice %arg12[%dma_wait3A_170] : memref<1280xf32, #tpu.memory_space<vmem>> -> memref<128xf32, #tpu.memory_space<vmem>>
      %dma_wait3A_172 = tpu.memref_slice %arg10[%add3A_27] : memref<6400xi32, #tpu.memory_space<vmem>> -> memref<128xi32, #tpu.memory_space<vmem>>
      %dma_wait3A_173 = arith.constant 0 : i32
      %dma_wait3A_174 = tpu.memref_slice %arg5[%dma_wait3A_173] : memref<100000xf32, #tpu.memory_space<hbm>> -> memref<100000xf32, #tpu.memory_space<hbm>>
      tpu.wait_indirect_dma semaphore(%arg15 : memref<!tpu.dma_semaphore, #tpu.memory_space<semaphore_mem>>) src(%dma_wait3A_174 : memref<100000xf32, #tpu.memory_space<hbm>>) dst(%dma_wait3A_171 : memref<128xf32, #tpu.memory_space<vmem>>)
      %dma_wait3A_175 = arith.constant 256 : i32
      %dma_wait3A_176 = arith.constant 0 : i32
      %dma_wait3A_177 = tpu.memref_slice %arg11[%dma_wait3A_175, %dma_wait3A_176] : memref<1280x64xf32, #tpu.memory_space<vmem>> -> memref<128x64xf32, #tpu.memory_space<vmem>>
      %dma_wait3A_178 = tpu.memref_slice %arg10[%add3A_41] : memref<6400xi32, #tpu.memory_space<vmem>> -> memref<128xi32, #tpu.memory_space<vmem>>
      %dma_wait3A_179 = arith.constant 0 : i32
      %dma_wait3A_180 = arith.constant 0 : i32
      %dma_wait3A_181 = tpu.memref_slice %arg4[%dma_wait3A_179, %dma_wait3A_180] : memref<100000x64xf32, #tpu.memory_space<hbm>> -> memref<100000x64xf32, #tpu.memory_space<hbm>>
      tpu.wait_indirect_dma semaphore(%arg14 : memref<!tpu.dma_semaphore, #tpu.memory_space<semaphore_mem>>) src(%dma_wait3A_181 : memref<100000x64xf32, #tpu.memory_space<hbm>>) dst(%dma_wait3A_177 : memref<128x64xf32, #tpu.memory_space<vmem>>)
      %dma_wait3A_182 = arith.constant 256 : i32
      %dma_wait3A_183 = tpu.memref_slice %arg12[%dma_wait3A_182] : memref<1280xf32, #tpu.memory_space<vmem>> -> memref<128xf32, #tpu.memory_space<vmem>>
      %dma_wait3A_184 = tpu.memref_slice %arg10[%add3A_41] : memref<6400xi32, #tpu.memory_space<vmem>> -> memref<128xi32, #tpu.memory_space<vmem>>
      %dma_wait3A_185 = arith.constant 0 : i32
      %dma_wait3A_186 = tpu.memref_slice %arg5[%dma_wait3A_185] : memref<100000xf32, #tpu.memory_space<hbm>> -> memref<100000xf32, #tpu.memory_space<hbm>>
      tpu.wait_indirect_dma semaphore(%arg15 : memref<!tpu.dma_semaphore, #tpu.memory_space<semaphore_mem>>) src(%dma_wait3A_186 : memref<100000xf32, #tpu.memory_space<hbm>>) dst(%dma_wait3A_183 : memref<128xf32, #tpu.memory_space<vmem>>)
      %dma_wait3A_187 = arith.constant 384 : i32
      %dma_wait3A_188 = arith.constant 0 : i32
      %dma_wait3A_189 = tpu.memref_slice %arg11[%dma_wait3A_187, %dma_wait3A_188] : memref<1280x64xf32, #tpu.memory_space<vmem>> -> memref<128x64xf32, #tpu.memory_space<vmem>>
      %dma_wait3A_190 = tpu.memref_slice %arg10[%add3A_55] : memref<6400xi32, #tpu.memory_space<vmem>> -> memref<128xi32, #tpu.memory_space<vmem>>
      %dma_wait3A_191 = arith.constant 0 : i32
      %dma_wait3A_192 = arith.constant 0 : i32
      %dma_wait3A_193 = tpu.memref_slice %arg4[%dma_wait3A_191, %dma_wait3A_192] : memref<100000x64xf32, #tpu.memory_space<hbm>> -> memref<100000x64xf32, #tpu.memory_space<hbm>>
      tpu.wait_indirect_dma semaphore(%arg14 : memref<!tpu.dma_semaphore, #tpu.memory_space<semaphore_mem>>) src(%dma_wait3A_193 : memref<100000x64xf32, #tpu.memory_space<hbm>>) dst(%dma_wait3A_189 : memref<128x64xf32, #tpu.memory_space<vmem>>)
      %dma_wait3A_194 = arith.constant 384 : i32
      %dma_wait3A_195 = tpu.memref_slice %arg12[%dma_wait3A_194] : memref<1280xf32, #tpu.memory_space<vmem>> -> memref<128xf32, #tpu.memory_space<vmem>>
      %dma_wait3A_196 = tpu.memref_slice %arg10[%add3A_55] : memref<6400xi32, #tpu.memory_space<vmem>> -> memref<128xi32, #tpu.memory_space<vmem>>
      %dma_wait3A_197 = arith.constant 0 : i32
      %dma_wait3A_198 = tpu.memref_slice %arg5[%dma_wait3A_197] : memref<100000xf32, #tpu.memory_space<hbm>> -> memref<100000xf32, #tpu.memory_space<hbm>>
      tpu.wait_indirect_dma semaphore(%arg15 : memref<!tpu.dma_semaphore, #tpu.memory_space<semaphore_mem>>) src(%dma_wait3A_198 : memref<100000xf32, #tpu.memory_space<hbm>>) dst(%dma_wait3A_195 : memref<128xf32, #tpu.memory_space<vmem>>)
      %dma_wait3A_199 = arith.constant 512 : i32
      %dma_wait3A_200 = arith.constant 0 : i32
      %dma_wait3A_201 = tpu.memref_slice %arg11[%dma_wait3A_199, %dma_wait3A_200] : memref<1280x64xf32, #tpu.memory_space<vmem>> -> memref<128x64xf32, #tpu.memory_space<vmem>>
      %dma_wait3A_202 = tpu.memref_slice %arg10[%add3A_69] : memref<6400xi32, #tpu.memory_space<vmem>> -> memref<128xi32, #tpu.memory_space<vmem>>
      %dma_wait3A_203 = arith.constant 0 : i32
      %dma_wait3A_204 = arith.constant 0 : i32
      %dma_wait3A_205 = tpu.memref_slice %arg4[%dma_wait3A_203, %dma_wait3A_204] : memref<100000x64xf32, #tpu.memory_space<hbm>> -> memref<100000x64xf32, #tpu.memory_space<hbm>>
      tpu.wait_indirect_dma semaphore(%arg14 : memref<!tpu.dma_semaphore, #tpu.memory_space<semaphore_mem>>) src(%dma_wait3A_205 : memref<100000x64xf32, #tpu.memory_space<hbm>>) dst(%dma_wait3A_201 : memref<128x64xf32, #tpu.memory_space<vmem>>)
      %dma_wait3A_206 = arith.constant 512 : i32
      %dma_wait3A_207 = tpu.memref_slice %arg12[%dma_wait3A_206] : memref<1280xf32, #tpu.memory_space<vmem>> -> memref<128xf32, #tpu.memory_space<vmem>>
      %dma_wait3A_208 = tpu.memref_slice %arg10[%add3A_69] : memref<6400xi32, #tpu.memory_space<vmem>> -> memref<128xi32, #tpu.memory_space<vmem>>
      %dma_wait3A_209 = arith.constant 0 : i32
      %dma_wait3A_210 = tpu.memref_slice %arg5[%dma_wait3A_209] : memref<100000xf32, #tpu.memory_space<hbm>> -> memref<100000xf32, #tpu.memory_space<hbm>>
      tpu.wait_indirect_dma semaphore(%arg15 : memref<!tpu.dma_semaphore, #tpu.memory_space<semaphore_mem>>) src(%dma_wait3A_210 : memref<100000xf32, #tpu.memory_space<hbm>>) dst(%dma_wait3A_207 : memref<128xf32, #tpu.memory_space<vmem>>)
      %dma_wait3A_211 = arith.constant 640 : i32
      %dma_wait3A_212 = arith.constant 0 : i32
      %dma_wait3A_213 = tpu.memref_slice %arg11[%dma_wait3A_211, %dma_wait3A_212] : memref<1280x64xf32, #tpu.memory_space<vmem>> -> memref<128x64xf32, #tpu.memory_space<vmem>>
      %dma_wait3A_214 = tpu.memref_slice %arg10[%add3A_83] : memref<6400xi32, #tpu.memory_space<vmem>> -> memref<128xi32, #tpu.memory_space<vmem>>
      %dma_wait3A_215 = arith.constant 0 : i32
      %dma_wait3A_216 = arith.constant 0 : i32
      %dma_wait3A_217 = tpu.memref_slice %arg4[%dma_wait3A_215, %dma_wait3A_216] : memref<100000x64xf32, #tpu.memory_space<hbm>> -> memref<100000x64xf32, #tpu.memory_space<hbm>>
      tpu.wait_indirect_dma semaphore(%arg14 : memref<!tpu.dma_semaphore, #tpu.memory_space<semaphore_mem>>) src(%dma_wait3A_217 : memref<100000x64xf32, #tpu.memory_space<hbm>>) dst(%dma_wait3A_213 : memref<128x64xf32, #tpu.memory_space<vmem>>)
      %dma_wait3A_218 = arith.constant 640 : i32
      %dma_wait3A_219 = tpu.memref_slice %arg12[%dma_wait3A_218] : memref<1280xf32, #tpu.memory_space<vmem>> -> memref<128xf32, #tpu.memory_space<vmem>>
      %dma_wait3A_220 = tpu.memref_slice %arg10[%add3A_83] : memref<6400xi32, #tpu.memory_space<vmem>> -> memref<128xi32, #tpu.memory_space<vmem>>
      %dma_wait3A_221 = arith.constant 0 : i32
      %dma_wait3A_222 = tpu.memref_slice %arg5[%dma_wait3A_221] : memref<100000xf32, #tpu.memory_space<hbm>> -> memref<100000xf32, #tpu.memory_space<hbm>>
      tpu.wait_indirect_dma semaphore(%arg15 : memref<!tpu.dma_semaphore, #tpu.memory_space<semaphore_mem>>) src(%dma_wait3A_222 : memref<100000xf32, #tpu.memory_space<hbm>>) dst(%dma_wait3A_219 : memref<128xf32, #tpu.memory_space<vmem>>)
      %dma_wait3A_223 = arith.constant 768 : i32
      %dma_wait3A_224 = arith.constant 0 : i32
      %dma_wait3A_225 = tpu.memref_slice %arg11[%dma_wait3A_223, %dma_wait3A_224] : memref<1280x64xf32, #tpu.memory_space<vmem>> -> memref<128x64xf32, #tpu.memory_space<vmem>>
      %dma_wait3A_226 = tpu.memref_slice %arg10[%add3A_97] : memref<6400xi32, #tpu.memory_space<vmem>> -> memref<128xi32, #tpu.memory_space<vmem>>
      %dma_wait3A_227 = arith.constant 0 : i32
      %dma_wait3A_228 = arith.constant 0 : i32
      %dma_wait3A_229 = tpu.memref_slice %arg4[%dma_wait3A_227, %dma_wait3A_228] : memref<100000x64xf32, #tpu.memory_space<hbm>> -> memref<100000x64xf32, #tpu.memory_space<hbm>>
      tpu.wait_indirect_dma semaphore(%arg14 : memref<!tpu.dma_semaphore, #tpu.memory_space<semaphore_mem>>) src(%dma_wait3A_229 : memref<100000x64xf32, #tpu.memory_space<hbm>>) dst(%dma_wait3A_225 : memref<128x64xf32, #tpu.memory_space<vmem>>)
      %dma_wait3A_230 = arith.constant 768 : i32
      %dma_wait3A_231 = tpu.memref_slice %arg12[%dma_wait3A_230] : memref<1280xf32, #tpu.memory_space<vmem>> -> memref<128xf32, #tpu.memory_space<vmem>>
      %dma_wait3A_232 = tpu.memref_slice %arg10[%add3A_97] : memref<6400xi32, #tpu.memory_space<vmem>> -> memref<128xi32, #tpu.memory_space<vmem>>
      %dma_wait3A_233 = arith.constant 0 : i32
      %dma_wait3A_234 = tpu.memref_slice %arg5[%dma_wait3A_233] : memref<100000xf32, #tpu.memory_space<hbm>> -> memref<100000xf32, #tpu.memory_space<hbm>>
      tpu.wait_indirect_dma semaphore(%arg15 : memref<!tpu.dma_semaphore, #tpu.memory_space<semaphore_mem>>) src(%dma_wait3A_234 : memref<100000xf32, #tpu.memory_space<hbm>>) dst(%dma_wait3A_231 : memref<128xf32, #tpu.memory_space<vmem>>)
      %dma_wait3A_235 = arith.constant 896 : i32
      %dma_wait3A_236 = arith.constant 0 : i32
      %dma_wait3A_237 = tpu.memref_slice %arg11[%dma_wait3A_235, %dma_wait3A_236] : memref<1280x64xf32, #tpu.memory_space<vmem>> -> memref<128x64xf32, #tpu.memory_space<vmem>>
      %dma_wait3A_238 = tpu.memref_slice %arg10[%add3A_111] : memref<6400xi32, #tpu.memory_space<vmem>> -> memref<128xi32, #tpu.memory_space<vmem>>
      %dma_wait3A_239 = arith.constant 0 : i32
      %dma_wait3A_240 = arith.constant 0 : i32
      %dma_wait3A_241 = tpu.memref_slice %arg4[%dma_wait3A_239, %dma_wait3A_240] : memref<100000x64xf32, #tpu.memory_space<hbm>> -> memref<100000x64xf32, #tpu.memory_space<hbm>>
      tpu.wait_indirect_dma semaphore(%arg14 : memref<!tpu.dma_semaphore, #tpu.memory_space<semaphore_mem>>) src(%dma_wait3A_241 : memref<100000x64xf32, #tpu.memory_space<hbm>>) dst(%dma_wait3A_237 : memref<128x64xf32, #tpu.memory_space<vmem>>)
      %dma_wait3A_242 = arith.constant 896 : i32
      %dma_wait3A_243 = tpu.memref_slice %arg12[%dma_wait3A_242] : memref<1280xf32, #tpu.memory_space<vmem>> -> memref<128xf32, #tpu.memory_space<vmem>>
      %dma_wait3A_244 = tpu.memref_slice %arg10[%add3A_111] : memref<6400xi32, #tpu.memory_space<vmem>> -> memref<128xi32, #tpu.memory_space<vmem>>
      %dma_wait3A_245 = arith.constant 0 : i32
      %dma_wait3A_246 = tpu.memref_slice %arg5[%dma_wait3A_245] : memref<100000xf32, #tpu.memory_space<hbm>> -> memref<100000xf32, #tpu.memory_space<hbm>>
      tpu.wait_indirect_dma semaphore(%arg15 : memref<!tpu.dma_semaphore, #tpu.memory_space<semaphore_mem>>) src(%dma_wait3A_246 : memref<100000xf32, #tpu.memory_space<hbm>>) dst(%dma_wait3A_243 : memref<128xf32, #tpu.memory_space<vmem>>)
      %dma_wait3A_247 = arith.constant 1024 : i32
      %dma_wait3A_248 = arith.constant 0 : i32
      %dma_wait3A_249 = tpu.memref_slice %arg11[%dma_wait3A_247, %dma_wait3A_248] : memref<1280x64xf32, #tpu.memory_space<vmem>> -> memref<128x64xf32, #tpu.memory_space<vmem>>
      %dma_wait3A_250 = tpu.memref_slice %arg10[%add3A_125] : memref<6400xi32, #tpu.memory_space<vmem>> -> memref<128xi32, #tpu.memory_space<vmem>>
      %dma_wait3A_251 = arith.constant 0 : i32
      %dma_wait3A_252 = arith.constant 0 : i32
      %dma_wait3A_253 = tpu.memref_slice %arg4[%dma_wait3A_251, %dma_wait3A_252] : memref<100000x64xf32, #tpu.memory_space<hbm>> -> memref<100000x64xf32, #tpu.memory_space<hbm>>
      tpu.wait_indirect_dma semaphore(%arg14 : memref<!tpu.dma_semaphore, #tpu.memory_space<semaphore_mem>>) src(%dma_wait3A_253 : memref<100000x64xf32, #tpu.memory_space<hbm>>) dst(%dma_wait3A_249 : memref<128x64xf32, #tpu.memory_space<vmem>>)
      %dma_wait3A_254 = arith.constant 1024 : i32
      %dma_wait3A_255 = tpu.memref_slice %arg12[%dma_wait3A_254] : memref<1280xf32, #tpu.memory_space<vmem>> -> memref<128xf32, #tpu.memory_space<vmem>>
      %dma_wait3A_256 = tpu.memref_slice %arg10[%add3A_125] : memref<6400xi32, #tpu.memory_space<vmem>> -> memref<128xi32, #tpu.memory_space<vmem>>
      %dma_wait3A_257 = arith.constant 0 : i32
      %dma_wait3A_258 = tpu.memref_slice %arg5[%dma_wait3A_257] : memref<100000xf32, #tpu.memory_space<hbm>> -> memref<100000xf32, #tpu.memory_space<hbm>>
      tpu.wait_indirect_dma semaphore(%arg15 : memref<!tpu.dma_semaphore, #tpu.memory_space<semaphore_mem>>) src(%dma_wait3A_258 : memref<100000xf32, #tpu.memory_space<hbm>>) dst(%dma_wait3A_255 : memref<128xf32, #tpu.memory_space<vmem>>)
      %dma_wait3A_259 = arith.constant 1152 : i32
      %dma_wait3A_260 = arith.constant 0 : i32
      %dma_wait3A_261 = tpu.memref_slice %arg11[%dma_wait3A_259, %dma_wait3A_260] : memref<1280x64xf32, #tpu.memory_space<vmem>> -> memref<128x64xf32, #tpu.memory_space<vmem>>
      %dma_wait3A_262 = tpu.memref_slice %arg10[%add3A_139] : memref<6400xi32, #tpu.memory_space<vmem>> -> memref<128xi32, #tpu.memory_space<vmem>>
      %dma_wait3A_263 = arith.constant 0 : i32
      %dma_wait3A_264 = arith.constant 0 : i32
      %dma_wait3A_265 = tpu.memref_slice %arg4[%dma_wait3A_263, %dma_wait3A_264] : memref<100000x64xf32, #tpu.memory_space<hbm>> -> memref<100000x64xf32, #tpu.memory_space<hbm>>
      tpu.wait_indirect_dma semaphore(%arg14 : memref<!tpu.dma_semaphore, #tpu.memory_space<semaphore_mem>>) src(%dma_wait3A_265 : memref<100000x64xf32, #tpu.memory_space<hbm>>) dst(%dma_wait3A_261 : memref<128x64xf32, #tpu.memory_space<vmem>>)
      %dma_wait3A_266 = arith.constant 1152 : i32
      %dma_wait3A_267 = tpu.memref_slice %arg12[%dma_wait3A_266] : memref<1280xf32, #tpu.memory_space<vmem>> -> memref<128xf32, #tpu.memory_space<vmem>>
      %dma_wait3A_268 = tpu.memref_slice %arg10[%add3A_139] : memref<6400xi32, #tpu.memory_space<vmem>> -> memref<128xi32, #tpu.memory_space<vmem>>
      %dma_wait3A_269 = arith.constant 0 : i32
      %dma_wait3A_270 = tpu.memref_slice %arg5[%dma_wait3A_269] : memref<100000xf32, #tpu.memory_space<hbm>> -> memref<100000xf32, #tpu.memory_space<hbm>>
      tpu.wait_indirect_dma semaphore(%arg15 : memref<!tpu.dma_semaphore, #tpu.memory_space<semaphore_mem>>) src(%dma_wait3A_270 : memref<100000xf32, #tpu.memory_space<hbm>>) dst(%dma_wait3A_267 : memref<128xf32, #tpu.memory_space<vmem>>)
      %add3A_271 = arith.addi %mul3A_2, %mul3A_12 : i32
      "tpu.region"() ({
        %run_scoped3A = tpu.sem_alloc : memref<!tpu.dma_semaphore, #tpu.memory_space<semaphore_mem>>
        %dma_start3A_273 = arith.constant 0 : i32
        %dma_start3A_274 = tpu.memref_slice %arg6[%add3A_271, %dma_start3A_273] : memref<204800x64xf32, #tpu.memory_space<hbm>> -> memref<1280x64xf32, #tpu.memory_space<hbm>>
        %dma_start3A_275 = arith.constant 0 : i32
        %dma_start3A_276 = tpu.memref_slice %arg6[%add3A_271, %dma_start3A_275] : memref<204800x64xf32, #tpu.memory_space<hbm>> -> memref<1280x64xf32, #tpu.memory_space<hbm>>
        tpu.enqueue_dma source(%arg11 : memref<1280x64xf32, #tpu.memory_space<vmem>>) target(%dma_start3A_276 : memref<1280x64xf32, #tpu.memory_space<hbm>>) target_semaphore(%run_scoped3A : memref<!tpu.dma_semaphore, #tpu.memory_space<semaphore_mem>>)
        %dma_wait3A_277 = arith.constant 0 : i32
        %dma_wait3A_278 = tpu.memref_slice %arg6[%add3A_271, %dma_wait3A_277] : memref<204800x64xf32, #tpu.memory_space<hbm>> -> memref<1280x64xf32, #tpu.memory_space<hbm>>
        %dma_wait3A_279 = arith.constant 0 : i32
        %dma_wait3A_280 = tpu.memref_slice %arg6[%add3A_271, %dma_wait3A_279] : memref<204800x64xf32, #tpu.memory_space<hbm>> -> memref<1280x64xf32, #tpu.memory_space<hbm>>
        tpu.wait_dma2 semaphore(%run_scoped3A : memref<!tpu.dma_semaphore, #tpu.memory_space<semaphore_mem>>) src(%arg11 : memref<1280x64xf32, #tpu.memory_space<vmem>>) dst(%dma_wait3A_280 : memref<1280x64xf32, #tpu.memory_space<hbm>>)
        tpu.yield
      }) : () -> ()
      %add3A_272 = arith.addi %mul3A_2, %mul3A_12 : i32
      "tpu.region"() ({
        %run_scoped3A = tpu.sem_alloc : memref<!tpu.dma_semaphore, #tpu.memory_space<semaphore_mem>>
        %dma_start3A_273 = tpu.memref_slice %arg7[%add3A_272] : memref<204800xf32, #tpu.memory_space<hbm>> -> memref<1280xf32, #tpu.memory_space<hbm>>
        %dma_start3A_274 = tpu.memref_slice %arg7[%add3A_272] : memref<204800xf32, #tpu.memory_space<hbm>> -> memref<1280xf32, #tpu.memory_space<hbm>>
        tpu.enqueue_dma source(%arg12 : memref<1280xf32, #tpu.memory_space<vmem>>) target(%dma_start3A_274 : memref<1280xf32, #tpu.memory_space<hbm>>) target_semaphore(%run_scoped3A : memref<!tpu.dma_semaphore, #tpu.memory_space<semaphore_mem>>)
        %dma_wait3A_275 = tpu.memref_slice %arg7[%add3A_272] : memref<204800xf32, #tpu.memory_space<hbm>> -> memref<1280xf32, #tpu.memory_space<hbm>>
        %dma_wait3A_276 = tpu.memref_slice %arg7[%add3A_272] : memref<204800xf32, #tpu.memory_space<hbm>> -> memref<1280xf32, #tpu.memory_space<hbm>>
        tpu.wait_dma2 semaphore(%run_scoped3A : memref<!tpu.dma_semaphore, #tpu.memory_space<semaphore_mem>>) src(%arg12 : memref<1280xf32, #tpu.memory_space<vmem>>) dst(%dma_wait3A_276 : memref<1280xf32, #tpu.memory_space<hbm>>)
        tpu.yield
      }) : () -> ()
    }
    %scan3A_7 = arith.constant 5 : i32
    %eq3A = arith.constant 0 : i32
    %eq3A_8 = arith.cmpi eq, %add3A, %eq3A : i32
    %convert_element_type3A = arith.extui %eq3A_8 : i1 to i32
    %cond3A = arith.constant 0 : i32
    %cond3A_9 = arith.cmpi ne, %convert_element_type3A, %cond3A : i32
    scf.if %cond3A_9 {
      "tpu.region"() ({
        %run_scoped3A = tpu.sem_alloc : memref<!tpu.dma_semaphore, #tpu.memory_space<semaphore_mem>>
        tpu.enqueue_dma source(%arg3 : memref<128xi32, #tpu.memory_space<hbm>>) target(%arg13 : memref<128xi32, #tpu.memory_space<vmem>>) target_semaphore(%run_scoped3A : memref<!tpu.dma_semaphore, #tpu.memory_space<semaphore_mem>>)
        tpu.wait_dma2 semaphore(%run_scoped3A : memref<!tpu.dma_semaphore, #tpu.memory_space<semaphore_mem>>) src(%arg3 : memref<128xi32, #tpu.memory_space<hbm>>) dst(%arg13 : memref<128xi32, #tpu.memory_space<vmem>>)
        tpu.yield
      }) : () -> ()
      %dma_start3A = arith.constant 0 : i32
      %dma_start3A_10 = arith.constant 0 : i32
      %dma_start3A_11 = tpu.memref_slice %arg11[%dma_start3A, %dma_start3A_10] : memref<1280x64xf32, #tpu.memory_space<vmem>> -> memref<128x64xf32, #tpu.memory_space<vmem>>
      %dma_start3A_12 = arith.constant 0 : i32
      %dma_start3A_13 = arith.constant 0 : i32
      %dma_start3A_14 = tpu.memref_slice %arg4[%dma_start3A_12, %dma_start3A_13] : memref<100000x64xf32, #tpu.memory_space<hbm>> -> memref<100000x64xf32, #tpu.memory_space<hbm>>
      tpu.enqueue_indirect_dma source(%dma_start3A_14 : memref<100000x64xf32, #tpu.memory_space<hbm>>) target(%dma_start3A_11 : memref<128x64xf32, #tpu.memory_space<vmem>>) offsets(%arg13 : memref<128xi32, #tpu.memory_space<vmem>>) semaphore(%arg14 : memref<!tpu.dma_semaphore, #tpu.memory_space<semaphore_mem>>)
      %dma_wait3A = arith.constant 0 : i32
      %dma_wait3A_15 = arith.constant 0 : i32
      %dma_wait3A_16 = tpu.memref_slice %arg11[%dma_wait3A, %dma_wait3A_15] : memref<1280x64xf32, #tpu.memory_space<vmem>> -> memref<128x64xf32, #tpu.memory_space<vmem>>
      %dma_wait3A_17 = arith.constant 0 : i32
      %dma_wait3A_18 = arith.constant 0 : i32
      %dma_wait3A_19 = tpu.memref_slice %arg4[%dma_wait3A_17, %dma_wait3A_18] : memref<100000x64xf32, #tpu.memory_space<hbm>> -> memref<100000x64xf32, #tpu.memory_space<hbm>>
      tpu.wait_indirect_dma semaphore(%arg14 : memref<!tpu.dma_semaphore, #tpu.memory_space<semaphore_mem>>) src(%dma_wait3A_19 : memref<100000x64xf32, #tpu.memory_space<hbm>>) dst(%dma_wait3A_16 : memref<128x64xf32, #tpu.memory_space<vmem>>)
      "tpu.region"() ({
        %run_scoped3A = tpu.sem_alloc : memref<!tpu.dma_semaphore, #tpu.memory_space<semaphore_mem>>
        %dma_start3A_28 = arith.constant 0 : i32
        %dma_start3A_29 = arith.constant 0 : i32
        %dma_start3A_30 = tpu.memref_slice %arg11[%dma_start3A_28, %dma_start3A_29] : memref<1280x64xf32, #tpu.memory_space<vmem>> -> memref<128x64xf32, #tpu.memory_space<vmem>>
        %dma_start3A_31 = arith.constant 0 : i32
        %dma_start3A_32 = arith.constant 0 : i32
        %dma_start3A_33 = tpu.memref_slice %arg11[%dma_start3A_31, %dma_start3A_32] : memref<1280x64xf32, #tpu.memory_space<vmem>> -> memref<128x64xf32, #tpu.memory_space<vmem>>
        tpu.enqueue_dma source(%dma_start3A_33 : memref<128x64xf32, #tpu.memory_space<vmem>>) target(%arg8 : memref<128x64xf32, #tpu.memory_space<hbm>>) target_semaphore(%run_scoped3A : memref<!tpu.dma_semaphore, #tpu.memory_space<semaphore_mem>>)
        %dma_wait3A_34 = arith.constant 0 : i32
        %dma_wait3A_35 = arith.constant 0 : i32
        %dma_wait3A_36 = tpu.memref_slice %arg11[%dma_wait3A_34, %dma_wait3A_35] : memref<1280x64xf32, #tpu.memory_space<vmem>> -> memref<128x64xf32, #tpu.memory_space<vmem>>
        %dma_wait3A_37 = arith.constant 0 : i32
        %dma_wait3A_38 = arith.constant 0 : i32
        %dma_wait3A_39 = tpu.memref_slice %arg11[%dma_wait3A_37, %dma_wait3A_38] : memref<1280x64xf32, #tpu.memory_space<vmem>> -> memref<128x64xf32, #tpu.memory_space<vmem>>
        tpu.wait_dma2 semaphore(%run_scoped3A : memref<!tpu.dma_semaphore, #tpu.memory_space<semaphore_mem>>) src(%dma_wait3A_39 : memref<128x64xf32, #tpu.memory_space<vmem>>) dst(%arg8 : memref<128x64xf32, #tpu.memory_space<hbm>>)
        tpu.yield
      }) : () -> ()
      %dma_start3A_20 = arith.constant 0 : i32
      %dma_start3A_21 = tpu.memref_slice %arg12[%dma_start3A_20] : memref<1280xf32, #tpu.memory_space<vmem>> -> memref<128xf32, #tpu.memory_space<vmem>>
      %dma_start3A_22 = arith.constant 0 : i32
      %dma_start3A_23 = tpu.memref_slice %arg5[%dma_start3A_22] : memref<100000xf32, #tpu.memory_space<hbm>> -> memref<100000xf32, #tpu.memory_space<hbm>>
      tpu.enqueue_indirect_dma source(%dma_start3A_23 : memref<100000xf32, #tpu.memory_space<hbm>>) target(%dma_start3A_21 : memref<128xf32, #tpu.memory_space<vmem>>) offsets(%arg13 : memref<128xi32, #tpu.memory_space<vmem>>) semaphore(%arg15 : memref<!tpu.dma_semaphore, #tpu.memory_space<semaphore_mem>>)
      %dma_wait3A_24 = arith.constant 0 : i32
      %dma_wait3A_25 = tpu.memref_slice %arg12[%dma_wait3A_24] : memref<1280xf32, #tpu.memory_space<vmem>> -> memref<128xf32, #tpu.memory_space<vmem>>
      %dma_wait3A_26 = arith.constant 0 : i32
      %dma_wait3A_27 = tpu.memref_slice %arg5[%dma_wait3A_26] : memref<100000xf32, #tpu.memory_space<hbm>> -> memref<100000xf32, #tpu.memory_space<hbm>>
      tpu.wait_indirect_dma semaphore(%arg15 : memref<!tpu.dma_semaphore, #tpu.memory_space<semaphore_mem>>) src(%dma_wait3A_27 : memref<100000xf32, #tpu.memory_space<hbm>>) dst(%dma_wait3A_25 : memref<128xf32, #tpu.memory_space<vmem>>)
      "tpu.region"() ({
        %run_scoped3A = tpu.sem_alloc : memref<!tpu.dma_semaphore, #tpu.memory_space<semaphore_mem>>
        %dma_start3A_28 = arith.constant 0 : i32
        %dma_start3A_29 = tpu.memref_slice %arg12[%dma_start3A_28] : memref<1280xf32, #tpu.memory_space<vmem>> -> memref<128xf32, #tpu.memory_space<vmem>>
        %dma_start3A_30 = arith.constant 0 : i32
        %dma_start3A_31 = tpu.memref_slice %arg12[%dma_start3A_30] : memref<1280xf32, #tpu.memory_space<vmem>> -> memref<128xf32, #tpu.memory_space<vmem>>
        tpu.enqueue_dma source(%dma_start3A_31 : memref<128xf32, #tpu.memory_space<vmem>>) target(%arg9 : memref<128xf32, #tpu.memory_space<hbm>>) target_semaphore(%run_scoped3A : memref<!tpu.dma_semaphore, #tpu.memory_space<semaphore_mem>>)
        %dma_wait3A_32 = arith.constant 0 : i32
        %dma_wait3A_33 = tpu.memref_slice %arg12[%dma_wait3A_32] : memref<1280xf32, #tpu.memory_space<vmem>> -> memref<128xf32, #tpu.memory_space<vmem>>
        %dma_wait3A_34 = arith.constant 0 : i32
        %dma_wait3A_35 = tpu.memref_slice %arg12[%dma_wait3A_34] : memref<1280xf32, #tpu.memory_space<vmem>> -> memref<128xf32, #tpu.memory_space<vmem>>
        tpu.wait_dma2 semaphore(%run_scoped3A : memref<!tpu.dma_semaphore, #tpu.memory_space<semaphore_mem>>) src(%dma_wait3A_35 : memref<128xf32, #tpu.memory_space<vmem>>) dst(%arg9 : memref<128xf32, #tpu.memory_space<hbm>>)
        tpu.yield
      }) : () -> ()
    } else {
    }
    return
  }
}

module attributes {stable_mosaic.version = 14 : i64} {
  func.func @body(%arg0: i32, %arg1: memref<128x50x64xf32, #tpu.memory_space<vmem>>, %arg2: memref<6400x64xf32, #tpu.memory_space<vmem>>, %arg3: memref<6400x1xf32, #tpu.memory_space<vmem>>, %arg4: memref<128x64xf32, #tpu.memory_space<vmem>>, %arg5: memref<128x64xf32, #tpu.memory_space<vmem>>, %arg6: memref<1x128xf32, #tpu.memory_space<vmem>>, %arg7: memref<1x1xf32, #tpu.memory_space<vmem>>) attributes {dimension_semantics = [#tpu.dimension_semantics<arbitrary>], iteration_bounds = array<i64: 32>, scalar_prefetch = 0 : i64, scratch_operands = 0 : i64, tpu.core_type = #tpu.core_type<tc>, window_params = [{transform_indices = @transform_0, window_bounds = array<i64: 128, 50, 64>}, {transform_indices = @transform_1, window_bounds = array<i64: 6400, 64>}, {transform_indices = @transform_2, window_bounds = array<i64: 6400, 1>}, {pipeline_mode = #tpu.pipeline_mode<synchronous>, transform_indices = @transform_3, window_bounds = array<i64: 128, 64>}, {pipeline_mode = #tpu.pipeline_mode<synchronous>, transform_indices = @transform_4, window_bounds = array<i64: 128, 64>}, {pipeline_mode = #tpu.pipeline_mode<synchronous>, transform_indices = @transform_5, window_bounds = array<i64: 1, 128>}, {pipeline_mode = #tpu.pipeline_mode<synchronous>, transform_indices = @transform_6, window_bounds = array<i64: 1, 1>}]} {
    %get3A = arith.constant 0 : index
    %get3A_0 = arith.constant 0 : index
    %get3A_1 = arith.constant 0 : index
    %get3A_2 = vector.load %arg1[%get3A, %get3A_0, %get3A_1] : memref<128x50x64xf32, #tpu.memory_space<vmem>>, vector<128x50x64xf32>
    %reshape3A = vector.shape_cast %get3A_2 : vector<128x50x64xf32> to vector<6400x64xf32>
    %get3A_3 = arith.constant 0 : index
    %get3A_4 = arith.constant 0 : index
    %get3A_5 = vector.load %arg2[%get3A_3, %get3A_4] : memref<6400x64xf32, #tpu.memory_space<vmem>>, vector<6400x64xf32>
    %get3A_6 = arith.constant 0 : index
    %get3A_7 = arith.constant 0 : index
    %get3A_8 = vector.load %arg3[%get3A_6, %get3A_7] : memref<6400x1xf32, #tpu.memory_space<vmem>>, vector<6400x1xf32>
    %get3A_9 = arith.constant 0 : index
    %get3A_10 = arith.constant 0 : index
    %get3A_11 = vector.load %arg4[%get3A_9, %get3A_10] : memref<128x64xf32, #tpu.memory_space<vmem>>, vector<128x64xf32>
    %get3A_12 = arith.constant 0 : index
    %get3A_13 = arith.constant 0 : index
    %get3A_14 = vector.load %arg5[%get3A_12, %get3A_13] : memref<128x64xf32, #tpu.memory_space<vmem>>, vector<128x64xf32>
    %get3A_15 = arith.constant 0 : index
    %get3A_16 = arith.constant 0 : index
    %get3A_17 = vector.load %arg6[%get3A_15, %get3A_16] : memref<1x128xf32, #tpu.memory_space<vmem>>, vector<1x128xf32>
    %dot_general3A = arith.constant dense<0.000000e+00> : vector<6400x128xf32>
    %dot_general3A_18 = tpu.matmul %reshape3A, %get3A_11, %dot_general3A {dimension_numbers = #tpu.dot_dimension_numbers<[1], [1], [0], [0], [0, 0, 1, 0], [], []>, transpose_lhs_hint = false} : vector<6400x64xf32>, vector<128x64xf32>, vector<6400x128xf32> -> vector<6400x128xf32>
    %mul3A = arith.mulf %reshape3A, %get3A_5 : vector<6400x64xf32>
    %dot_general3A_19 = arith.constant dense<0.000000e+00> : vector<6400x128xf32>
    %dot_general3A_20 = tpu.matmul %mul3A, %get3A_14, %dot_general3A_19 {dimension_numbers = #tpu.dot_dimension_numbers<[1], [1], [0], [0], [0, 0, 1, 0], [], []>, transpose_lhs_hint = false} : vector<6400x64xf32>, vector<128x64xf32>, vector<6400x128xf32> -> vector<6400x128xf32>
    %add3A = arith.addf %dot_general3A_18, %dot_general3A_20 : vector<6400x128xf32>
    %slice3A = vector.extract_strided_slice %add3A {offsets = [0, 127], sizes = [6400, 1], strides = [1, 1]} : vector<6400x128xf32> to vector<6400x1xf32>
    %sub3A = arith.subf %slice3A, %get3A_8 : vector<6400x1xf32>
    %sub3A_21 = vector.broadcast %get3A_17 : vector<1x128xf32> to vector<6400x128xf32>
    %sub3A_22 = arith.subf %add3A, %sub3A_21 : vector<6400x128xf32>
    %reduce_max3A = arith.constant dense<0xFF800000> : vector<6400xf32>
    %reduce_max3A_23 = vector.multi_reduction <maximumf>, %sub3A_22, %reduce_max3A [1] : vector<6400x128xf32> to vector<6400xf32>
    %broadcast_in_dim3A = vector.shape_cast %reduce_max3A_23 : vector<6400xf32> to vector<6400x1xf32>
    %max3A = arith.maximumf %broadcast_in_dim3A, %sub3A : vector<6400x1xf32>
    %sub3A_24 = vector.broadcast %max3A : vector<6400x1xf32> to vector<6400x128xf32>
    %sub3A_25 = arith.subf %sub3A_22, %sub3A_24 : vector<6400x128xf32>
    %exp3A = math.exp %sub3A_25 : vector<6400x128xf32>
    %reduce_sum3A = arith.constant dense<0.000000e+00> : vector<6400xf32>
    %reduce_sum3A_26 = vector.multi_reduction <add>, %exp3A, %reduce_sum3A [1] : vector<6400x128xf32> to vector<6400xf32>
    %broadcast_in_dim3A_27 = vector.shape_cast %reduce_sum3A_26 : vector<6400xf32> to vector<6400x1xf32>
    %sub3A_28 = arith.subf %sub3A, %max3A : vector<6400x1xf32>
    %exp3A_29 = math.exp %sub3A_28 : vector<6400x1xf32>
    %add3A_30 = arith.addf %broadcast_in_dim3A_27, %exp3A_29 : vector<6400x1xf32>
    %log3A = math.log %add3A_30 : vector<6400x1xf32>
    %add3A_31 = arith.addf %max3A, %log3A : vector<6400x1xf32>
    %sub3A_32 = arith.subf %add3A_31, %sub3A : vector<6400x1xf32>
    %reduce_sum3A_33 = vector.shape_cast %sub3A_32 : vector<6400x1xf32> to vector<1x6400x1xf32>
    %reduce_sum3A_34 = arith.constant dense<0.000000e+00> : vector<1xf32>
    %reduce_sum3A_35 = vector.multi_reduction <add>, %reduce_sum3A_33, %reduce_sum3A_34 [1, 2] : vector<1x6400x1xf32> to vector<1xf32>
    %reduce_sum3A_36 = vector.shape_cast %reduce_sum3A_35 : vector<1xf32> to vector<1x1x1xf32>
    %reduce_sum3A_37 = vector.extract %reduce_sum3A_36[0, 0, 0] : f32 from vector<1x1x1xf32>
    %broadcast_in_dim3A_38 = vector.broadcast %reduce_sum3A_37 : f32 to vector<1x1xf32>
    %eq3A = arith.constant 0 : i32
    %eq3A_39 = arith.cmpi eq, %arg0, %eq3A : i32
    %convert_element_type3A = arith.extui %eq3A_39 : i1 to i32
    %cond3A = arith.constant 0 : i32
    %cond3A_40 = arith.cmpi ne, %convert_element_type3A, %cond3A : i32
    scf.if %cond3A_40 {
      %broadcast_in_dim3A_47 = arith.constant 0.000000e+00 : f32
      %broadcast_in_dim3A_48 = vector.broadcast %broadcast_in_dim3A_47 : f32 to vector<1x1xf32>
      %swap3A_49 = arith.constant 0 : index
      %swap3A_50 = arith.constant 0 : index
      %swap3A_51 = vector.load %arg7[%swap3A_49, %swap3A_50] : memref<1x1xf32, #tpu.memory_space<vmem>>, vector<1x1xf32>
      tpu.vector_store %arg7[%swap3A_49, %swap3A_50], %broadcast_in_dim3A_48 {strides = array<i32>} : memref<1x1xf32, #tpu.memory_space<vmem>>, vector<1x1xf32>,
    } else {
    }
    %get3A_41 = arith.constant 0 : index
    %get3A_42 = arith.constant 0 : index
    %get3A_43 = vector.load %arg7[%get3A_41, %get3A_42] : memref<1x1xf32, #tpu.memory_space<vmem>>, vector<1x1xf32>
    %add3A_44 = arith.addf %get3A_43, %broadcast_in_dim3A_38 : vector<1x1xf32>
    %swap3A = arith.constant 0 : index
    %swap3A_45 = arith.constant 0 : index
    %swap3A_46 = vector.load %arg7[%swap3A, %swap3A_45] : memref<1x1xf32, #tpu.memory_space<vmem>>, vector<1x1xf32>
    tpu.vector_store %arg7[%swap3A, %swap3A_45], %add3A_44 {strides = array<i32>} : memref<1x1xf32, #tpu.memory_space<vmem>>, vector<1x1xf32>,
    return
  }
  func.func @transform_0(%arg0: i32) -> (i32, i32, i32) {
    %c0_i32 = arith.constant 0 : i32
    %c0_i32_0 = arith.constant 0 : i32
    %c0_i32_1 = arith.constant 0 : i32
    return %arg0, %c0_i32, %c0_i32_0 : i32, i32, i32
  }
  func.func @transform_1(%arg0: i32) -> (i32, i32) {
    %c0_i32 = arith.constant 0 : i32
    %c0_i32_0 = arith.constant 0 : i32
    return %arg0, %c0_i32 : i32, i32
  }
  func.func @transform_2(%arg0: i32) -> (i32, i32) {
    %c0_i32 = arith.constant 0 : i32
    %c0_i32_0 = arith.constant 0 : i32
    return %arg0, %c0_i32 : i32, i32
  }
  func.func @transform_3(%arg0: i32) -> (i32, i32) {
    %c0_i32 = arith.constant 0 : i32
    %c0_i32_0 = arith.constant 0 : i32
    %c0_i32_1 = arith.constant 0 : i32
    return %c0_i32, %c0_i32_0 : i32, i32
  }
  func.func @transform_4(%arg0: i32) -> (i32, i32) {
    %c0_i32 = arith.constant 0 : i32
    %c0_i32_0 = arith.constant 0 : i32
    %c0_i32_1 = arith.constant 0 : i32
    return %c0_i32, %c0_i32_0 : i32, i32
  }
  func.func @transform_5(%arg0: i32) -> (i32, i32) {
    %c0_i32 = arith.constant 0 : i32
    %c0_i32_0 = arith.constant 0 : i32
    %c0_i32_1 = arith.constant 0 : i32
    return %c0_i32, %c0_i32_0 : i32, i32
  }
  func.func @transform_6(%arg0: i32) -> (i32, i32) {
    %c0_i32 = arith.constant 0 : i32
    %c0_i32_0 = arith.constant 0 : i32
    %c0_i32_1 = arith.constant 0 : i32
    return %c0_i32, %c0_i32_0 : i32, i32
  }
}

</mosaic_0001>

<sc_bundles>
// kernel: kernel.4.cloned.1.call-start
scs
__scs_entry_jumppad:
0x0: {  	(pc) =	sbr.rel $0x88, $3  }
0x1: {  	(tag) =	ssettag $0x0;
	lr =	simm.s32 $0x1  }
0x2: {  	[smem:$0x3F9D] =	sst lr;
	_ =	strace $0xD0000000  }
0x3: {  	_ = 	snop  }
0x4: {  	_ = 	snop  }
0x5: {  	_ = 	snop  }
0x6: {  	_ = 	snop  }
0x7: {  	_ = 	snop  }
__scs_overlays_trampoline_lowered:
0x8: {  	[smem:$0x3FAC] =	sst s0  }
0x9: {  	[smem:$0x3FAD] =	sst s1  }
0xa: {  	[smem:$0x3FAE] =	sst s2  }
0xb: {  	[smem:$0x3FAF] =	sst s3  }
0xc: {  	[smem:$0x3FB0] =	sst s4  }
0xd: {  	[smem:$0x3FB1] =	sst s5  }
0xe: {  	[smem:$0x3FB2] =	sst s6  }
0xf: {  	[smem:$0x3FB3] =	sst s7  }
0x10: {  	[smem:$0x3FB4] =	sst s8  }
0x11: {  	[smem:$0x3FB5] =	sst s9;
	s0 =	simm.s32 @!p0 $0x0  }
0x12: {  	s1 =	sld [smem:$0x3F9B];
	s0 =	simm.s32 @p0 $0x1  }
0x13: {  	[smem:$0x3FB6] =	sst s0;
	s0 =	simm.s32 @!p1 $0x0  }
0x14: {  	s2 =	sld [smem:$0x3F9A];
	s0 =	simm.s32 @p1 $0x1  }
0x15: {  	[smem:$0x3FB7] =	sst s0;
	s0 =	simm.s32 @!p2 $0x0  }
0x16: {  	s3 =	sld [smem:$0x3FDB];
	s0 =	simm.s32 @p2 $0x1  }
0x17: {  	s4 =	simm.s32 $0x1BF5;
	[smem:$0x3FB9] =	sst s0  }
0x18: {  	s0 =	sld [smem:$0x3F9C];
	_ =	swait.ge [sflag:s4], $0x0  }
0x19: {  	s7 =	sld [smem:$0x3F9D]  }
0x1a: {  	s8 =	sadd.s32 $0xFFFFE003, lr  }
0x1b: {  	s9 =	sadd.s32 $0xFFFFFEF7, lr;
	s5 =	simm.s32 $0xFFFFFFFF;
	p2 =	slt.u32 s8, $0xFFFFF086  }
0x1c: {  	p1 =	slt.u32 s9, $0xF7A;
	s5 =	simm.s32 @!p2 $0x0  }
0x1d: {  	s5 =	simm.s32 @p1 $0x1;
	p0 =	seq.s32 s7, s2  }
0x1e: {  	s7 =	smul.u32 @!p0 $0xF7A, s2;
	p2 =	seq.s32 @!p0 s5, $0x0  }
0x1f: {  	s9 =	smul.u32 $0xF7A, s1;
	s8 =	simm.s32 @!p0 $0x1BF5;
	p2 =	por !p2, p0  }
0x20: {  	[sflag:s8] =	ssyncset.s32 @!p0 $0xFFFFF086;
	s6 =	sadd.s32 @!p0 s3, s7;
	s7 =	simm.s32 @!p0 $0x108  }
0x21: {  	s3 =	sadd.s32 s3, s9;
	s6 =	sadd.s32 @!p0 $0x88, s6;
	s7 =	simm.s32 @p2 $0x1082  }
0x22: {  	[simem:s7], [sflag:s8] =	dma.local @!p0 [hbm:s6], $0xF7A  }
0x23: {  	s9 =	sor.u32 $0xD0000000, s2;
	s6 =	simm.s32 $0x108;
	_ =	swait.ge @!p0 [sflag:s8], $0x0  }
0x24: {  	s3 =	sadd.s32 $0x88, s3;
	s6 =	simm.s32 @!p1 $0x1082;
	[sflag:s4] =	ssyncset.s32 $0xFFFFF086  }
0x25: {  	[simem:s6], [sflag:s4] =	dma.local [hbm:s3], $0xF7A  }
0x26: {  	[smem:$0x3F9D] =	sst s1;
	(tag) =	ssettag s2;
	_ =	strace s9  }
0x27: {  	s1 =	sld [smem:$0x3FAD]  }
0x28: {  	s2 =	sld [smem:$0x3FAE]  }
0x29: {  	s4 =	sld [smem:$0x3FB0]  }
0x2a: {  	p0 =	seq.s32 s5, $0x0;
	s5 =	sld [smem:$0x3FB1]  }
0x2b: {  	s6 =	sld [smem:$0x3FB2]  }
0x2c: {  	s7 =	sld [smem:$0x3FB3]  }
0x2d: {  	s3 =	simm.s32 $0x108;
	s8 =	sld [smem:$0x3FB4]  }
0x2e: {  	s3 =	simm.s32 @!p0 $0x1082;
	s9 =	sld [smem:$0x3FB5]  }
0x2f: {  	lr =	sadd.s32 s0, s3;
	s0 =	sld [smem:$0x3FAC]  }
0x30: {  	s3 =	sld [smem:$0x3FAF]  }
0x31: {  	[smem:$0x3FB8] =	sst s10  }
0x32: {  	s10 =	sld [smem:$0x3FB6];
	_ =	sdelay $0x3  }
0x33: {  	p0 =	seq.s32 s10, $0x1;
	s10 =	sld [smem:$0x3FB8];
	_ =	sdelay $0x3  }
0x34: {  	[smem:$0x3FB8] =	sst s10  }
0x35: {  	s10 =	sld [smem:$0x3FB7];
	_ =	sdelay $0x3  }
0x36: {  	p1 =	seq.s32 s10, $0x1;
	s10 =	sld [smem:$0x3FB8];
	_ =	sdelay $0x3  }
0x37: {  	[smem:$0x3FB8] =	sst s10  }
0x38: {  	s10 =	sld [smem:$0x3FB9]  }
0x39: {  	_ = 	snop;
	(pc) =	sbr.ind lr, $3  }
0x3a: {  	_ = 	snop  }
0x3b: {  	_ = 	snop  }
0x3c: {  	p2 =	seq.s32 s10, $0x1;
	s10 =	sld [smem:$0x3FB8]  }
0x3d: {  	_ =	shalt  }
0x3e: {  	_ =	shalt  }
0x3f: {  	_ =	shalt  }
0x40: {  	_ =	shalt  }
0x41: {  	_ =	shalt  }
0x42: {  	_ =	shalt  }
0x43: {  	_ =	shalt  }
0x44: {  	_ =	shalt  }
0x45: {  	_ =	shalt  }
0x46: {  	_ =	shalt  }
0x47: {  	_ =	shalt  }
0x48: {  	_ =	shalt  }
0x49: {  	_ =	shalt  }
0x4a: {  	_ =	shalt  }
0x4b: {  	_ =	shalt  }
0x4c: {  	_ =	shalt  }
0x4d: {  	_ =	shalt  }
0x4e: {  	_ =	shalt  }
0x4f: {  	_ =	shalt  }
0x50: {  	_ =	shalt  }
0x51: {  	_ =	shalt  }
0x52: {  	_ =	shalt  }
0x53: {  	_ =	shalt  }
0x54: {  	_ =	shalt  }
0x55: {  	_ =	shalt  }
0x56: {  	_ =	shalt  }
0x57: {  	_ =	shalt  }
0x58: {  	_ =	shalt  }
0x59: {  	_ =	shalt  }
0x5a: {  	_ =	shalt  }
0x5b: {  	_ =	shalt  }
0x5c: {  	_ =	shalt  }
0x5d: {  	_ =	shalt  }
0x5e: {  	_ =	shalt  }
0x5f: {  	_ =	shalt  }
0x60: {  	_ =	shalt  }
0x61: {  	_ =	shalt  }
0x62: {  	_ =	shalt  }
0x63: {  	_ =	shalt  }
0x64: {  	_ =	shalt  }
0x65: {  	_ =	shalt  }
0x66: {  	_ =	shalt  }
0x67: {  	_ =	shalt  }
0x68: {  	_ =	shalt  }
0x69: {  	_ =	shalt  }
0x6a: {  	_ =	shalt  }
0x6b: {  	_ =	shalt  }
0x6c: {  	_ =	shalt  }
0x6d: {  	_ =	shalt  }
0x6e: {  	_ =	shalt  }
0x6f: {  	_ =	shalt  }
0x70: {  	_ =	shalt  }
0x71: {  	_ =	shalt  }
0x72: {  	_ =	shalt  }
0x73: {  	_ =	shalt  }
0x74: {  	_ =	shalt  }
0x75: {  	_ =	shalt  }
0x76: {  	_ =	shalt  }
0x77: {  	_ =	shalt  }
0x78: {  	_ =	shalt  }
0x79: {  	_ =	shalt  }
0x7a: {  	_ =	shalt  }
0x7b: {  	_ =	shalt  }
0x7c: {  	_ =	shalt  }
0x7d: {  	_ =	shalt  }
0x7e: {  	_ =	shalt  }
0x7f: {  	_ =	shalt  }
0x80: {  	_ =	shalt  }
0x81: {  	_ =	shalt  }
0x82: {  	_ =	shalt  }
0x83: {  	_ =	shalt  }
0x84: {  	_ =	shalt  }
0x85: {  	_ =	shalt  }
0x86: {  	_ =	shalt  }
0x87: {  	_ =	shalt  }
.Lfunc_end0:
.L_simem_size_0:
called_computation_lowered:
.L_overlay_start_0:
0x88: {  	s2 =	sld [smem:$0x3FD9]  }
0x89: {  	s3 =	sld [smem:$0x3FFE];
	_ =	sdelay $0x1  }
0x8a: {  	s1 =	srdreg.scid  }
0x8b: {  	s0 =	sand.u32 $0x1, s1  }
0x8c: {  	s17 =	sshll.u32 s0, $0xA;
	s2 =	sadd.s32 s3, s2  }
0x8d: {  	s2 =	sadd.s32 s2, s17  }
0x8e: {  	[smem:$0x3FC4] =	sst s2  }
0x8f: {  	_ = 	snop  }
0x90: {  	s2 =	sld [smem:$0x3FC6]  }
0x91: {  	s18 =	sld [smem:$0x3FD0];
	(tm) =	ssettm $0x1  }
0x92: {  	s4 =	sld [smem:$0x3FFB];
	_ =	sdelay $0x3  }
0x93: {  	_ =	strace s4  }
0x94: {  	s4 =	sld [smem:$0x3FFC];
	_ =	sdelay $0x3  }
0x95: {  	_ =	strace s4  }
0x96: {  	s4 =	sld [smem:$0x3FFD];
	_ =	sdelay $0x3  }
0x97: {  	_ =	strace s4  }
0x98: {  	_ =	strace $0x8FFFFFFF  }
0x99: {  	s19 =	sld [smem:$0x3FDB];
	_ =	sdelay $0x1  }
0x9a: {  	s5 =	simm.s32 $_scs_section_size  }
0x9b: {  	s6 =	simm.s32 $_size__tile_overlayer_lowered;
	s7 =	simm.s32 $_tile_overlayer_lowered  }
0x9c: {  	s22 =	simm.s32 $0x1BFF;
	s21 =	sshll.u32 s7, $0x1;
	s4 =	sadd.s32 s5, s19  }
0x9d: {  	s8 =	simm.s32 $0x0;
	s20 =	sshll.u32 s6, $0x1;
	s6 =	sadd.s32 s21, s4  }
0x9e: {  	[timem:s8], [sflag:s22] =	dma.local [hbm:s6], s20  }
0x9f: {  	_ =	swait.ge [sflag:s22], s20  }
0xa0: {  	s5 =	ssub.s32 $0x0, s20;
	[sflag:s22] =	ssyncset.done $0x0  }
0xa1: {  	[sflag:s22] =	ssyncadd.s32 s5;
	_ =	sdelay $0x1  }
0xa2: {  	s23 =	simm.s32 $0x1B8B  }
0xa3: {  	_ =	swait.ge [sflag:s23], $0x1  }
0xa4: {  	[sflag:s23] =	ssyncset.done $0x0  }
0xa5: {  	s25 =	simm.s32 $0x1B8E;
	s24 =	sld [smem:$0x3FFE];
	[sflag:s23] =	ssyncadd.s32 $0xFFFFFFFF  }
0xa6: {  	s26 =	simm.s32 $execute0_lowered;
	[smem:$0x3FD2] =	sst s25  }
0xa7: {  	s6 =	sshll.u32 s26, $0x1;
	_ =	strace $0x80000046;
	[dreg:$0x1] =	wrdreg $0xFFFFFFFF  }
0xa8: {  	s28 =	simm.s32 $_size_execute0_lowered;
	s4 =	sadd.s32 s4, s6;
	[dreg:$0x0] =	wrdreg $0x0  }
0xa9: {  	s6 =	sshll.u32 s28, $0x1;
	[dreg:$0x2] =	wrdreg s4  }
0xaa: {  	[dreg:$0x3] =	wrdreg s6  }
0xab: {  	[dreg:$0x4] =	wrdreg $0xC0  }
0xac: {  	_ =	task [dreg:s8], $0x5FFFF  }
0xad: {  	[dreg:$0x1] =	wrdreg $0xFFFFFFFF  }
0xae: {  	[dreg:$0x0] =	wrdreg $0x60  }
0xaf: {  	[dreg:$0x2] =	wrdreg s24  }
0xb0: {  	[dreg:$0x3] =	wrdreg s18  }
0xb1: {  	[dreg:$0x4] =	wrdreg s2  }
0xb2: {  	[dreg:$0x5] =	wrdreg $0x9  }
0xb3: {  	_ =	task.clear_ibuf [dreg:s8], $0x6FFFF;
	_ =	strace $0x90000046  }
0xb4: {  	s29 =	simm.s32 $0x9;
	_ =	strace $0x80000048  }
0xb5: {  	_ =	swait.ge [sflag:s29], $0x1  }
0xb6: {  	[sflag:s29] =	ssyncadd.s32 $0xFFFFFFFF  }
0xb7: {  	_ =	strace $0x90000048  }
0xb8: {  	_ =	sfence  }
0xb9: {  	s30 =	sld [smem:$0x0];
	_ =	sdelay $0x2  }
0xba: {  	s31 =	sshll.u32 s1, $0xD;
	s1 =	sshrl.u32 s1, $0x2  }
0xbb: {  	s3 =	sand.u32 $0x4000, s31;
	s1 =	sadd.s32 s1, s30  }
0xbc: {  	s0 =	sor.u32 s3, s0;
	s1 =	sshll.u32 s1, $0x11  }
0xbd: {  	s0 =	sor.u32 s1, s0  }
0xbe: {  	s0 =	sadd.s32 $0x8F2B, s0  }
0xbf: {  	[sflag:s0] =	ssyncadd.remote.s32 $0x1  }
0xc0: {  	_ =	sfence.sel $0xFFFF  }
0xc1: {  	[dreg:$0x0] =	wrdreg $0xFFFFFFFF;
	(pc) =	sbr.abs _section_cstart, $3  }
0xc2: {  	[dreg:$0x1] =	wrdreg $0xFFFFFFFF  }
0xc3: {  	_ =	task.clear_ibuf [dreg:s8], $0x2FFFF;
	_ =	strace $0x9FFFFFFF  }
0xc4: {  	(tm) =	ssettm $0x7FFFFFFF  }
0xc5: {  	_ =	shalt  }
tec
execute0_lowered:
.L_overlay_start_1:
0x0: {  	(tag) =	ssettag $0x1  }
0x1: {  	s0 =	srdreg.scid  }
0x2: {  	s2 =	stileid.u32;
	s7 =	rddreg [dreg:$0x0]  }
0x3: {  	s3 =	rddreg [dreg:$0x2];
	s4 =	simm.s32 $0x0;
	s13 =	simm.s32 $0x3900  }
0x4: {  	s22 =	simm.s32 $0x15980;
	s23 =	simm.s32 $0x5900;
	s24 =	simm.s32 $0x15A00  }
0x5: {  	s25 =	simm.s32 $0x7900;
	[smem:$0x7FF] =	sst s4;
	s19 =	sadd.s32 $0x7200, s7  }
0x6: {  	s26 =	simm.s32 $0x15A80;
	_ =	strace $0x80000047;
	[dreg:$0xe] =	wrdreg s19  }
0x7: {  	s28 =	simm.s32 $0x9900;
	s29 =	simm.s32 $0x15B00;
	[dreg:$0x4] =	wrdreg s13  }
0x8: {  	s30 =	simm.s32 $0xB900;
	s31 =	simm.s32 $0x15B80;
	[dreg:$0x5] =	wrdreg s22  }
0x9: {  	s14 =	simm.s32 $0x1900;
	s15 =	simm.s32 $0x15900;
	[dreg:$0x6] =	wrdreg s23  }
0xa: {  	s16 =	simm.s32 $0xD900;
	s17 =	simm.s32 $0x15C00;
	[dreg:$0x7] =	wrdreg s24  }
0xb: {  	s18 =	simm.s32 $0xF900;
	s0 =	sand.u32 $0x1, s0;
	[dreg:$0x8] =	wrdreg s25  }
0xc: {  	s1 =	sshll.u32 s2, $0x1;
	s6 =	smul.u32 $0x3200, s2;
	[dreg:$0x9] =	wrdreg s26  }
0xd: {  	s9 =	smul.u32 $0x19000, s2;
	s1 =	sor.u32 s0, s1;
	[dreg:$0xa] =	wrdreg s28  }
0xe: {  	s8 =	smul.u32 $0x1900, s0;
	s20 =	ssub.s32 $0x2, s0;
	[dreg:$0xb] =	wrdreg s29  }
0xf: {  	s0 =	smul.u32 $0xC800, s0;
	s13 =	simm.s32 $0x80;
	[dreg:$0xc] =	wrdreg s30  }
0x10: {  	[dreg:$0xd] =	wrdreg s31;
	s19 =	simm.s32 $0x15C80;
	s22 =	simm.s32 $0x13900  }
0x11: {  	s23 =	simm.s32 $0x15D80;
	s24 =	simm.s32 $0x1;
	s25 =	simm.s32 $0x2  }
0x12: {  	s26 =	simm.s32 $0x0;
	s5 =	smul.u32 $0x1900, s1;
	s11 =	sadd.s32 s9, s7  }
0x13: {  	s21 =	sshrl.u32 s20, $0x1;
	p0 =	sne.s32 s1, $0x0;
	s6 =	sadd.s32 s8, s6  }
0x14: {  	s9 =	ssub.s32 s20, s21;
	s0 =	sadd.s32 s0, s11;
	s20 =	simm.s32 $0x11900  }
0x15: {  	s21 =	simm.s32 $0x15D00;
	s5 =	sshrl.u32 s5, $0x3;
	s6 =	sshrl.u32 s6, $0x3  }
0x16: {  	s9 =	smax.u32 s9, $0x1;
	s11 =	sadd.s32 $0x251000, s0;
	s10 =	sadd.s32 s5, s7  }
0x17: {  	s5 =	sadd.s32 $0x18DA00, s7;
	s12 =	sadd.s32 s6, s7;
	s7 =	sadd.s32 $0x7000, s7  }
0x18: {  	s8 =	sadd.s32 $0xC00, s10;
	s10 =	sadd.s32 $0x7600, s12;
	s12 =	simm.s32 $0x3  }
.LBB2_1:
0x19: {  	[tilespmem:s4], [sflag:$0x3] =	stream.linear.gather [hbm4b:s8+s4], $0x1900, $0x38;
	[tilespmem:$0x15E80] =	vst v63  }
0x1a: {  	_ =	swait.ge [sflag:s12], $0x1900  }
0x1b: {  	[sflag:s12] =	ssyncset.done $0x0  }
0x1c: {  	s0 =	simm.s32 $0x0;
	[sflag:s12] =	ssyncadd.s32 $0xFFFFE700  }
0x1d: {  	[tilespmem:s14], [sflag:$0x1] =	stream.indirect.gather [hbm4b:s5+s13], $0x40, s0, s13, $0xb8;
	[tilespmem:$0x15E80] =	vst v63  }
0x1e: {  	_ = 	snop  }
0x1f: {  	[tilespmem:s15], [sflag:$0x2] =	stream.indirect.gather [hbm4b:s3+s13], $0x1, s0, s13, $0xb8;
	[tilespmem:$0x15E80] =	vst v63  }
0x20: {  	s2 =	simm.s32 $0x80;
	s1 =	rddreg [dreg:$0x4]  }
0x21: {  	[tilespmem:s1], [sflag:$0x1] =	stream.indirect.gather [hbm4b:s5+s13], $0x40, s2, s13, $0xb8;
	[tilespmem:$0x15E80] =	vst v63  }
0x22: {  	s28 =	rddreg [dreg:$0x5]  }
0x23: {  	[tilespmem:s28], [sflag:$0x2] =	stream.indirect.gather [hbm4b:s3+s13], $0x1, s2, s13, $0xb8;
	[tilespmem:$0x15E80] =	vst v63  }
0x24: {  	s6 =	rddreg [dreg:$0x6];
	s2 =	simm.s32 $0x100  }
0x25: {  	[tilespmem:s6], [sflag:$0x1] =	stream.indirect.gather [hbm4b:s5+s13], $0x40, s2, s13, $0xb8;
	[tilespmem:$0x15E80] =	vst v63  }
0x26: {  	s28 =	rddreg [dreg:$0x7]  }
0x27: {  	[tilespmem:s28], [sflag:$0x2] =	stream.indirect.gather [hbm4b:s3+s13], $0x1, s2, s13, $0xb8;
	[tilespmem:$0x15E80] =	vst v63  }
0x28: {  	s6 =	rddreg [dreg:$0x8];
	s2 =	simm.s32 $0x180  }
0x29: {  	[tilespmem:s6], [sflag:$0x1] =	stream.indirect.gather [hbm4b:s5+s13], $0x40, s2, s13, $0xb8;
	[tilespmem:$0x15E80] =	vst v63  }
0x2a: {  	s28 =	rddreg [dreg:$0x9]  }
0x2b: {  	[tilespmem:s28], [sflag:$0x2] =	stream.indirect.gather [hbm4b:s3+s13], $0x1, s2, s13, $0xb8;
	[tilespmem:$0x15E80] =	vst v63  }
0x2c: {  	s6 =	rddreg [dreg:$0xa];
	s2 =	simm.s32 $0x200  }
0x2d: {  	[tilespmem:s6], [sflag:$0x1] =	stream.indirect.gather [hbm4b:s5+s13], $0x40, s2, s13, $0xb8;
	[tilespmem:$0x15E80] =	vst v63  }
0x2e: {  	s28 =	rddreg [dreg:$0xb]  }
0x2f: {  	[tilespmem:s28], [sflag:$0x2] =	stream.indirect.gather [hbm4b:s3+s13], $0x1, s2, s13, $0xb8;
	[tilespmem:$0x15E80] =	vst v63  }
0x30: {  	s6 =	rddreg [dreg:$0xc];
	s2 =	simm.s32 $0x280  }
0x31: {  	[tilespmem:s6], [sflag:$0x1] =	stream.indirect.gather [hbm4b:s5+s13], $0x40, s2, s13, $0xb8;
	[tilespmem:$0x15E80] =	vst v63  }
0x32: {  	s28 =	rddreg [dreg:$0xd]  }
0x33: {  	[tilespmem:s28], [sflag:$0x2] =	stream.indirect.gather [hbm4b:s3+s13], $0x1, s2, s13, $0xb8;
	[tilespmem:$0x15E80] =	vst v63  }
0x34: {  	s6 =	simm.s32 $0x300  }
0x35: {  	[tilespmem:s16], [sflag:$0x1] =	stream.indirect.gather [hbm4b:s5+s13], $0x40, s6, s13, $0xb8;
	[tilespmem:$0x15E80] =	vst v63  }
0x36: {  	_ = 	snop  }
0x37: {  	[tilespmem:s17], [sflag:$0x2] =	stream.indirect.gather [hbm4b:s3+s13], $0x1, s6, s13, $0xb8;
	[tilespmem:$0x15E80] =	vst v63  }
0x38: {  	s1 =	simm.s32 $0x380  }
0x39: {  	[tilespmem:s18], [sflag:$0x1] =	stream.indirect.gather [hbm4b:s5+s13], $0x40, s1, s13, $0xb8;
	[tilespmem:$0x15E80] =	vst v63  }
0x3a: {  	_ = 	snop  }
0x3b: {  	[tilespmem:s19], [sflag:$0x2] =	stream.indirect.gather [hbm4b:s3+s13], $0x1, s1, s13, $0xb8;
	[tilespmem:$0x15E80] =	vst v63  }
0x3c: {  	s2 =	simm.s32 $0x400  }
0x3d: {  	[tilespmem:s20], [sflag:$0x1] =	stream.indirect.gather [hbm4b:s5+s13], $0x40, s2, s13, $0xb8;
	[tilespmem:$0x15E80] =	vst v63  }
0x3e: {  	_ = 	snop  }
0x3f: {  	[tilespmem:s21], [sflag:$0x2] =	stream.indirect.gather [hbm4b:s3+s13], $0x1, s2, s13, $0xb8;
	[tilespmem:$0x15E80] =	vst v63  }
0x40: {  	s6 =	simm.s32 $0x480  }
0x41: {  	[tilespmem:s22], [sflag:$0x1] =	stream.indirect.gather [hbm4b:s5+s13], $0x40, s6, s13, $0xb8;
	[tilespmem:$0x15E80] =	vst v63  }
0x42: {  	_ = 	snop  }
0x43: {  	[tilespmem:s23], [sflag:$0x2] =	stream.indirect.gather [hbm4b:s3+s13], $0x1, s6, s13, $0xb8;
	[tilespmem:$0x15E80] =	vst v63  }
0x44: {  	_ =	swait.ge [sflag:s24], $0x2000  }
0x45: {  	[sflag:s24] =	ssyncset.done $0x0  }
0x46: {  	[sflag:s24] =	ssyncadd.s32 $0xFFFFE000  }
0x47: {  	_ =	swait.ge [sflag:s25], $0x80  }
0x48: {  	[sflag:s25] =	ssyncset.done $0x0  }
0x49: {  	[sflag:s25] =	ssyncadd.s32 $0xFFFFFF80  }
0x4a: {  	_ =	swait.ge [sflag:s24], $0x2000  }
0x4b: {  	[sflag:s24] =	ssyncset.done $0x0  }
0x4c: {  	[sflag:s24] =	ssyncadd.s32 $0xFFFFE000  }
0x4d: {  	_ =	swait.ge [sflag:s25], $0x80  }
0x4e: {  	[sflag:s25] =	ssyncset.done $0x0  }
0x4f: {  	[sflag:s25] =	ssyncadd.s32 $0xFFFFFF80  }
0x50: {  	_ =	swait.ge [sflag:s24], $0x2000  }
0x51: {  	[sflag:s24] =	ssyncset.done $0x0  }
0x52: {  	[sflag:s24] =	ssyncadd.s32 $0xFFFFE000  }
0x53: {  	_ =	swait.ge [sflag:s25], $0x80  }
0x54: {  	[sflag:s25] =	ssyncset.done $0x0  }
0x55: {  	[sflag:s25] =	ssyncadd.s32 $0xFFFFFF80  }
0x56: {  	_ =	swait.ge [sflag:s24], $0x2000  }
0x57: {  	[sflag:s24] =	ssyncset.done $0x0  }
0x58: {  	[sflag:s24] =	ssyncadd.s32 $0xFFFFE000  }
0x59: {  	_ =	swait.ge [sflag:s25], $0x80  }
0x5a: {  	[sflag:s25] =	ssyncset.done $0x0  }
0x5b: {  	[sflag:s25] =	ssyncadd.s32 $0xFFFFFF80  }
0x5c: {  	_ =	swait.ge [sflag:s24], $0x2000  }
0x5d: {  	[sflag:s24] =	ssyncset.done $0x0  }
0x5e: {  	[sflag:s24] =	ssyncadd.s32 $0xFFFFE000  }
0x5f: {  	_ =	swait.ge [sflag:s25], $0x80  }
0x60: {  	[sflag:s25] =	ssyncset.done $0x0  }
0x61: {  	[sflag:s25] =	ssyncadd.s32 $0xFFFFFF80  }
0x62: {  	_ =	swait.ge [sflag:s24], $0x2000  }
0x63: {  	[sflag:s24] =	ssyncset.done $0x0  }
0x64: {  	[sflag:s24] =	ssyncadd.s32 $0xFFFFE000  }
0x65: {  	_ =	swait.ge [sflag:s25], $0x80  }
0x66: {  	[sflag:s25] =	ssyncset.done $0x0  }
0x67: {  	[sflag:s25] =	ssyncadd.s32 $0xFFFFFF80  }
0x68: {  	_ =	swait.ge [sflag:s24], $0x2000  }
0x69: {  	[sflag:s24] =	ssyncset.done $0x0  }
0x6a: {  	[sflag:s24] =	ssyncadd.s32 $0xFFFFE000  }
0x6b: {  	_ =	swait.ge [sflag:s25], $0x80  }
0x6c: {  	[sflag:s25] =	ssyncset.done $0x0  }
0x6d: {  	[sflag:s25] =	ssyncadd.s32 $0xFFFFFF80  }
0x6e: {  	_ =	swait.ge [sflag:s24], $0x2000  }
0x6f: {  	[sflag:s24] =	ssyncset.done $0x0  }
0x70: {  	[sflag:s24] =	ssyncadd.s32 $0xFFFFE000  }
0x71: {  	_ =	swait.ge [sflag:s25], $0x80  }
0x72: {  	[sflag:s25] =	ssyncset.done $0x0  }
0x73: {  	[sflag:s25] =	ssyncadd.s32 $0xFFFFFF80  }
0x74: {  	_ =	swait.ge [sflag:s24], $0x2000  }
0x75: {  	[sflag:s24] =	ssyncset.done $0x0  }
0x76: {  	[sflag:s24] =	ssyncadd.s32 $0xFFFFE000  }
0x77: {  	_ =	swait.ge [sflag:s25], $0x80  }
0x78: {  	[sflag:s25] =	ssyncset.done $0x0  }
0x79: {  	[sflag:s25] =	ssyncadd.s32 $0xFFFFFF80  }
0x7a: {  	_ =	swait.ge [sflag:s24], $0x2000  }
0x7b: {  	[sflag:s24] =	ssyncset.done $0x0  }
0x7c: {  	[sflag:s24] =	ssyncadd.s32 $0xFFFFE000  }
0x7d: {  	_ =	swait.ge [sflag:s25], $0x80  }
0x7e: {  	[sflag:s25] =	ssyncset.done $0x0  }
0x7f: {  	[sflag:s25] =	ssyncadd.s32 $0xFFFFFF80  }
0x80: {  	[hbm4b:s11+s4] =	stream.linear.scatter [tilespmem:s14], [sflag:$0x3], $0x14000, $0x38;
	[tilespmem:$0x15E80] =	vst v63  }
0x81: {  	_ =	swait.ge [sflag:s12], $0x14000  }
0x82: {  	[sflag:s12] =	ssyncset.done $0x0  }
0x83: {  	[sflag:s12] =	ssyncadd.s32 $0xFFFEC000  }
0x84: {  	[hbm4b:s10+s4] =	stream.linear.scatter [tilespmem:s15], [sflag:$0x3], $0x500, $0x38;
	[tilespmem:$0x15E80] =	vst v63  }
0x85: {  	s30 =	simm.s32 $0x1400;
	s31 =	simm.s32 $0x2800;
	_ =	swait.ge [sflag:s12], $0x500  }
0x86: {  	s29 =	sadd.s32 $0x2800, s11;
	s28 =	sadd.s32 $0xA0, s10;
	[sflag:s12] =	ssyncset.done $0x0  }
.LBB2_2:
0x87: {  	s1 =	sshra.s32 s30, $0x2;
	[sflag:s12] =	ssyncadd.s32 $0xFFFFFB00  }
0x88: {  	[tilespmem:s14], [sflag:$0x1] =	stream.indirect.gather [hbm4b:s5+s13], $0x40, s1, s13, $0xb8;
	[tilespmem:$0x15E80] =	vst v63  }
0x89: {  	s30 =	smov.u32 s31;
	s0 =	sadd.s32 $0x1400, s31  }
0x8a: {  	[tilespmem:s15], [sflag:$0x2] =	stream.indirect.gather [hbm4b:s3+s13], $0x1, s1, s13, $0xb8;
	[tilespmem:$0x15E80] =	vst v63  }
0x8b: {  	p1 =	sne.s32 s31, $0x5000;
	s31 =	rddreg [dreg:$0x4];
	s2 =	sadd.s32 $0x80, s1  }
0x8c: {  	[tilespmem:s31], [sflag:$0x1] =	stream.indirect.gather [hbm4b:s5+s13], $0x40, s2, s13, $0xb8;
	[tilespmem:$0x15E80] =	vst v63  }
0x8d: {  	s6 =	rddreg [dreg:$0x5]  }
0x8e: {  	[tilespmem:s6], [sflag:$0x2] =	stream.indirect.gather [hbm4b:s3+s13], $0x1, s2, s13, $0xb8;
	[tilespmem:$0x15E80] =	vst v63  }
0x8f: {  	s31 =	rddreg [dreg:$0x6];
	s2 =	sadd.s32 $0x100, s1  }
0x90: {  	[tilespmem:s31], [sflag:$0x1] =	stream.indirect.gather [hbm4b:s5+s13], $0x40, s2, s13, $0xb8;
	[tilespmem:$0x15E80] =	vst v63  }
0x91: {  	s6 =	rddreg [dreg:$0x7]  }
0x92: {  	[tilespmem:s6], [sflag:$0x2] =	stream.indirect.gather [hbm4b:s3+s13], $0x1, s2, s13, $0xb8;
	[tilespmem:$0x15E80] =	vst v63  }
0x93: {  	s31 =	rddreg [dreg:$0x8];
	s2 =	sadd.s32 $0x180, s1  }
0x94: {  	[tilespmem:s31], [sflag:$0x1] =	stream.indirect.gather [hbm4b:s5+s13], $0x40, s2, s13, $0xb8;
	[tilespmem:$0x15E80] =	vst v63  }
0x95: {  	s6 =	rddreg [dreg:$0x9]  }
0x96: {  	[tilespmem:s6], [sflag:$0x2] =	stream.indirect.gather [hbm4b:s3+s13], $0x1, s2, s13, $0xb8;
	[tilespmem:$0x15E80] =	vst v63  }
0x97: {  	s31 =	rddreg [dreg:$0xa];
	s2 =	sadd.s32 $0x200, s1  }
0x98: {  	[tilespmem:s31], [sflag:$0x1] =	stream.indirect.gather [hbm4b:s5+s13], $0x40, s2, s13, $0xb8;
	[tilespmem:$0x15E80] =	vst v63  }
0x99: {  	s6 =	rddreg [dreg:$0xb]  }
0x9a: {  	[tilespmem:s6], [sflag:$0x2] =	stream.indirect.gather [hbm4b:s3+s13], $0x1, s2, s13, $0xb8;
	[tilespmem:$0x15E80] =	vst v63  }
0x9b: {  	s31 =	rddreg [dreg:$0xc];
	s2 =	sadd.s32 $0x280, s1  }
0x9c: {  	[tilespmem:s31], [sflag:$0x1] =	stream.indirect.gather [hbm4b:s5+s13], $0x40, s2, s13, $0xb8;
	[tilespmem:$0x15E80] =	vst v63  }
0x9d: {  	s6 =	rddreg [dreg:$0xd]  }
0x9e: {  	[tilespmem:s6], [sflag:$0x2] =	stream.indirect.gather [hbm4b:s3+s13], $0x1, s2, s13, $0xb8;
	[tilespmem:$0x15E80] =	vst v63  }
0x9f: {  	s6 =	sadd.s32 $0x300, s1  }
0xa0: {  	[tilespmem:s16], [sflag:$0x1] =	stream.indirect.gather [hbm4b:s5+s13], $0x40, s6, s13, $0xb8;
	[tilespmem:$0x15E80] =	vst v63  }
0xa1: {  	_ = 	snop  }
0xa2: {  	[tilespmem:s17], [sflag:$0x2] =	stream.indirect.gather [hbm4b:s3+s13], $0x1, s6, s13, $0xb8;
	[tilespmem:$0x15E80] =	vst v63  }
0xa3: {  	s6 =	sadd.s32 $0x380, s1  }
0xa4: {  	[tilespmem:s18], [sflag:$0x1] =	stream.indirect.gather [hbm4b:s5+s13], $0x40, s6, s13, $0xb8;
	[tilespmem:$0x15E80] =	vst v63  }
0xa5: {  	_ = 	snop  }
0xa6: {  	[tilespmem:s19], [sflag:$0x2] =	stream.indirect.gather [hbm4b:s3+s13], $0x1, s6, s13, $0xb8;
	[tilespmem:$0x15E80] =	vst v63  }
0xa7: {  	s6 =	sadd.s32 $0x400, s1  }
0xa8: {  	[tilespmem:s20], [sflag:$0x1] =	stream.indirect.gather [hbm4b:s5+s13], $0x40, s6, s13, $0xb8;
	[tilespmem:$0x15E80] =	vst v63  }
0xa9: {  	_ = 	snop  }
0xaa: {  	[tilespmem:s21], [sflag:$0x2] =	stream.indirect.gather [hbm4b:s3+s13], $0x1, s6, s13, $0xb8;
	[tilespmem:$0x15E80] =	vst v63  }
0xab: {  	s1 =	sadd.s32 $0x480, s1  }
0xac: {  	[tilespmem:s22], [sflag:$0x1] =	stream.indirect.gather [hbm4b:s5+s13], $0x40, s1, s13, $0xb8;
	[tilespmem:$0x15E80] =	vst v63  }
0xad: {  	_ = 	snop  }
0xae: {  	[tilespmem:s23], [sflag:$0x2] =	stream.indirect.gather [hbm4b:s3+s13], $0x1, s1, s13, $0xb8;
	[tilespmem:$0x15E80] =	vst v63  }
0xaf: {  	_ =	swait.ge [sflag:s24], $0x2000  }
0xb0: {  	[sflag:s24] =	ssyncset.done $0x0  }
0xb1: {  	[sflag:s24] =	ssyncadd.s32 $0xFFFFE000  }
0xb2: {  	_ =	swait.ge [sflag:s25], $0x80  }
0xb3: {  	[sflag:s25] =	ssyncset.done $0x0  }
0xb4: {  	[sflag:s25] =	ssyncadd.s32 $0xFFFFFF80  }
0xb5: {  	_ =	swait.ge [sflag:s24], $0x2000  }
0xb6: {  	[sflag:s24] =	ssyncset.done $0x0  }
0xb7: {  	[sflag:s24] =	ssyncadd.s32 $0xFFFFE000  }
0xb8: {  	_ =	swait.ge [sflag:s25], $0x80  }
0xb9: {  	[sflag:s25] =	ssyncset.done $0x0  }
0xba: {  	[sflag:s25] =	ssyncadd.s32 $0xFFFFFF80  }
0xbb: {  	_ =	swait.ge [sflag:s24], $0x2000  }
0xbc: {  	[sflag:s24] =	ssyncset.done $0x0  }
0xbd: {  	[sflag:s24] =	ssyncadd.s32 $0xFFFFE000  }
0xbe: {  	_ =	swait.ge [sflag:s25], $0x80  }
0xbf: {  	[sflag:s25] =	ssyncset.done $0x0  }
0xc0: {  	[sflag:s25] =	ssyncadd.s32 $0xFFFFFF80  }
0xc1: {  	_ =	swait.ge [sflag:s24], $0x2000  }
0xc2: {  	[sflag:s24] =	ssyncset.done $0x0  }
0xc3: {  	[sflag:s24] =	ssyncadd.s32 $0xFFFFE000  }
0xc4: {  	_ =	swait.ge [sflag:s25], $0x80  }
0xc5: {  	[sflag:s25] =	ssyncset.done $0x0  }
0xc6: {  	[sflag:s25] =	ssyncadd.s32 $0xFFFFFF80  }
0xc7: {  	_ =	swait.ge [sflag:s24], $0x2000  }
0xc8: {  	[sflag:s24] =	ssyncset.done $0x0  }
0xc9: {  	[sflag:s24] =	ssyncadd.s32 $0xFFFFE000  }
0xca: {  	_ =	swait.ge [sflag:s25], $0x80  }
0xcb: {  	[sflag:s25] =	ssyncset.done $0x0  }
0xcc: {  	[sflag:s25] =	ssyncadd.s32 $0xFFFFFF80  }
0xcd: {  	_ =	swait.ge [sflag:s24], $0x2000  }
0xce: {  	[sflag:s24] =	ssyncset.done $0x0  }
0xcf: {  	[sflag:s24] =	ssyncadd.s32 $0xFFFFE000  }
0xd0: {  	_ =	swait.ge [sflag:s25], $0x80  }
0xd1: {  	[sflag:s25] =	ssyncset.done $0x0  }
0xd2: {  	[sflag:s25] =	ssyncadd.s32 $0xFFFFFF80  }
0xd3: {  	_ =	swait.ge [sflag:s24], $0x2000  }
0xd4: {  	[sflag:s24] =	ssyncset.done $0x0  }
0xd5: {  	[sflag:s24] =	ssyncadd.s32 $0xFFFFE000  }
0xd6: {  	_ =	swait.ge [sflag:s25], $0x80  }
0xd7: {  	[sflag:s25] =	ssyncset.done $0x0  }
0xd8: {  	[sflag:s25] =	ssyncadd.s32 $0xFFFFFF80  }
0xd9: {  	_ =	swait.ge [sflag:s24], $0x2000  }
0xda: {  	[sflag:s24] =	ssyncset.done $0x0  }
0xdb: {  	[sflag:s24] =	ssyncadd.s32 $0xFFFFE000  }
0xdc: {  	_ =	swait.ge [sflag:s25], $0x80  }
0xdd: {  	[sflag:s25] =	ssyncset.done $0x0  }
0xde: {  	[sflag:s25] =	ssyncadd.s32 $0xFFFFFF80  }
0xdf: {  	_ =	swait.ge [sflag:s24], $0x2000  }
0xe0: {  	[sflag:s24] =	ssyncset.done $0x0  }
0xe1: {  	[sflag:s24] =	ssyncadd.s32 $0xFFFFE000  }
0xe2: {  	_ =	swait.ge [sflag:s25], $0x80  }
0xe3: {  	[sflag:s25] =	ssyncset.done $0x0  }
0xe4: {  	[sflag:s25] =	ssyncadd.s32 $0xFFFFFF80  }
0xe5: {  	_ =	swait.ge [sflag:s24], $0x2000  }
0xe6: {  	[sflag:s24] =	ssyncset.done $0x0  }
0xe7: {  	[sflag:s24] =	ssyncadd.s32 $0xFFFFE000  }
0xe8: {  	_ =	swait.ge [sflag:s25], $0x80  }
0xe9: {  	[sflag:s25] =	ssyncset.done $0x0  }
0xea: {  	[sflag:s25] =	ssyncadd.s32 $0xFFFFFF80  }
0xeb: {  	[hbm4b:s29+s4] =	stream.linear.scatter [tilespmem:s14], [sflag:$0x3], $0x14000, $0x38;
	[tilespmem:$0x15E80] =	vst v63  }
0xec: {  	_ =	swait.ge [sflag:s12], $0x14000  }
.Ltmp0:
0xed: {  	[sflag:s12] =	ssyncset.done $0x0;
	(pc) =	sbr.rel @p1 .LBB2_2-.Ltmp0, $4  }
0xee: {  	[sflag:s12] =	ssyncadd.s32 $0xFFFEC000  }
0xef: {  	[hbm4b:s28+s4] =	stream.linear.scatter [tilespmem:s15], [sflag:$0x3], $0x500, $0x38;
	[tilespmem:$0x15E80] =	vst v63  }
0xf0: {  	s31 =	smov.u32 s0;
	_ =	swait.ge [sflag:s12], $0x500  }
0xf1: {  	s29 =	sadd.s32 $0x2800, s29;
	s28 =	sadd.s32 $0xA0, s28;
	[sflag:s12] =	ssyncset.done $0x0  }
0xf2: {  	s0 =	sshra.s32 s30, $0x2;
	[sflag:s12] =	ssyncadd.s32 $0xFFFFFB00  }
0xf3: {  	[tilespmem:s14], [sflag:$0x1] =	stream.indirect.gather [hbm4b:s5+s13], $0x40, s0, s13, $0xb8;
	[tilespmem:$0x15E80] =	vst v63  }
0xf4: {  	_ = 	snop  }
0xf5: {  	[tilespmem:s15], [sflag:$0x2] =	stream.indirect.gather [hbm4b:s3+s13], $0x1, s0, s13, $0xb8;
	[tilespmem:$0x15E80] =	vst v63  }
0xf6: {  	s1 =	rddreg [dreg:$0x4];
	s2 =	sadd.s32 $0x80, s0  }
0xf7: {  	[tilespmem:s1], [sflag:$0x1] =	stream.indirect.gather [hbm4b:s5+s13], $0x40, s2, s13, $0xb8;
	[tilespmem:$0x15E80] =	vst v63  }
0xf8: {  	s6 =	rddreg [dreg:$0x5]  }
0xf9: {  	[tilespmem:s6], [sflag:$0x2] =	stream.indirect.gather [hbm4b:s3+s13], $0x1, s2, s13, $0xb8;
	[tilespmem:$0x15E80] =	vst v63  }
0xfa: {  	s30 =	sadd.s32 $0x100, s0;
	s1 =	rddreg [dreg:$0x6]  }
0xfb: {  	[tilespmem:s1], [sflag:$0x1] =	stream.indirect.gather [hbm4b:s5+s13], $0x40, s30, s13, $0xb8;
	[tilespmem:$0x15E80] =	vst v63  }
0xfc: {  	s31 =	rddreg [dreg:$0x7]  }
0xfd: {  	[tilespmem:s31], [sflag:$0x2] =	stream.indirect.gather [hbm4b:s3+s13], $0x1, s30, s13, $0xb8;
	[tilespmem:$0x15E80] =	vst v63  }
0xfe: {  	s1 =	rddreg [dreg:$0x8];
	s30 =	sadd.s32 $0x180, s0  }
0xff: {  	[tilespmem:s1], [sflag:$0x1] =	stream.indirect.gather [hbm4b:s5+s13], $0x40, s30, s13, $0xb8;
	[tilespmem:$0x15E80] =	vst v63  }
0x100: {  	s31 =	rddreg [dreg:$0x9]  }
0x101: {  	[tilespmem:s31], [sflag:$0x2] =	stream.indirect.gather [hbm4b:s3+s13], $0x1, s30, s13, $0xb8;
	[tilespmem:$0x15E80] =	vst v63  }
0x102: {  	s1 =	rddreg [dreg:$0xa];
	s30 =	sadd.s32 $0x200, s0  }
0x103: {  	[tilespmem:s1], [sflag:$0x1] =	stream.indirect.gather [hbm4b:s5+s13], $0x40, s30, s13, $0xb8;
	[tilespmem:$0x15E80] =	vst v63  }
0x104: {  	s31 =	rddreg [dreg:$0xb]  }
0x105: {  	[tilespmem:s31], [sflag:$0x2] =	stream.indirect.gather [hbm4b:s3+s13], $0x1, s30, s13, $0xb8;
	[tilespmem:$0x15E80] =	vst v63  }
0x106: {  	s1 =	rddreg [dreg:$0xc];
	s30 =	sadd.s32 $0x280, s0  }
0x107: {  	[tilespmem:s1], [sflag:$0x1] =	stream.indirect.gather [hbm4b:s5+s13], $0x40, s30, s13, $0xb8;
	[tilespmem:$0x15E80] =	vst v63  }
0x108: {  	s31 =	rddreg [dreg:$0xd]  }
0x109: {  	[tilespmem:s31], [sflag:$0x2] =	stream.indirect.gather [hbm4b:s3+s13], $0x1, s30, s13, $0xb8;
	[tilespmem:$0x15E80] =	vst v63  }
0x10a: {  	s6 =	sadd.s32 $0x300, s0  }
0x10b: {  	[tilespmem:s16], [sflag:$0x1] =	stream.indirect.gather [hbm4b:s5+s13], $0x40, s6, s13, $0xb8;
	[tilespmem:$0x15E80] =	vst v63  }
0x10c: {  	_ = 	snop  }
0x10d: {  	[tilespmem:s17], [sflag:$0x2] =	stream.indirect.gather [hbm4b:s3+s13], $0x1, s6, s13, $0xb8;
	[tilespmem:$0x15E80] =	vst v63  }
0x10e: {  	s30 =	sadd.s32 $0x380, s0  }
0x10f: {  	[tilespmem:s18], [sflag:$0x1] =	stream.indirect.gather [hbm4b:s5+s13], $0x40, s30, s13, $0xb8;
	[tilespmem:$0x15E80] =	vst v63  }
0x110: {  	_ = 	snop  }
0x111: {  	[tilespmem:s19], [sflag:$0x2] =	stream.indirect.gather [hbm4b:s3+s13], $0x1, s30, s13, $0xb8;
	[tilespmem:$0x15E80] =	vst v63  }
0x112: {  	s31 =	sadd.s32 $0x400, s0  }
0x113: {  	[tilespmem:s20], [sflag:$0x1] =	stream.indirect.gather [hbm4b:s5+s13], $0x40, s31, s13, $0xb8;
	[tilespmem:$0x15E80] =	vst v63  }
0x114: {  	_ = 	snop  }
0x115: {  	[tilespmem:s21], [sflag:$0x2] =	stream.indirect.gather [hbm4b:s3+s13], $0x1, s31, s13, $0xb8;
	[tilespmem:$0x15E80] =	vst v63  }
0x116: {  	s0 =	sadd.s32 $0x480, s0  }
0x117: {  	[tilespmem:s22], [sflag:$0x1] =	stream.indirect.gather [hbm4b:s5+s13], $0x40, s0, s13, $0xb8;
	[tilespmem:$0x15E80] =	vst v63  }
0x118: {  	_ = 	snop  }
0x119: {  	[tilespmem:s23], [sflag:$0x2] =	stream.indirect.gather [hbm4b:s3+s13], $0x1, s0, s13, $0xb8;
	[tilespmem:$0x15E80] =	vst v63  }
0x11a: {  	_ =	swait.ge [sflag:s24], $0x2000  }
0x11b: {  	[sflag:s24] =	ssyncset.done $0x0  }
0x11c: {  	[sflag:s24] =	ssyncadd.s32 $0xFFFFE000  }
0x11d: {  	_ =	swait.ge [sflag:s25], $0x80  }
0x11e: {  	[sflag:s25] =	ssyncset.done $0x0  }
0x11f: {  	[sflag:s25] =	ssyncadd.s32 $0xFFFFFF80  }
0x120: {  	_ =	swait.ge [sflag:s24], $0x2000  }
0x121: {  	[sflag:s24] =	ssyncset.done $0x0  }
0x122: {  	[sflag:s24] =	ssyncadd.s32 $0xFFFFE000  }
0x123: {  	_ =	swait.ge [sflag:s25], $0x80  }
0x124: {  	[sflag:s25] =	ssyncset.done $0x0  }
0x125: {  	[sflag:s25] =	ssyncadd.s32 $0xFFFFFF80  }
0x126: {  	_ =	swait.ge [sflag:s24], $0x2000  }
0x127: {  	[sflag:s24] =	ssyncset.done $0x0  }
0x128: {  	[sflag:s24] =	ssyncadd.s32 $0xFFFFE000  }
0x129: {  	_ =	swait.ge [sflag:s25], $0x80  }
0x12a: {  	[sflag:s25] =	ssyncset.done $0x0  }
0x12b: {  	[sflag:s25] =	ssyncadd.s32 $0xFFFFFF80  }
0x12c: {  	_ =	swait.ge [sflag:s24], $0x2000  }
0x12d: {  	[sflag:s24] =	ssyncset.done $0x0  }
0x12e: {  	[sflag:s24] =	ssyncadd.s32 $0xFFFFE000  }
0x12f: {  	_ =	swait.ge [sflag:s25], $0x80  }
0x130: {  	[sflag:s25] =	ssyncset.done $0x0  }
0x131: {  	[sflag:s25] =	ssyncadd.s32 $0xFFFFFF80  }
0x132: {  	_ =	swait.ge [sflag:s24], $0x2000  }
0x133: {  	[sflag:s24] =	ssyncset.done $0x0  }
0x134: {  	[sflag:s24] =	ssyncadd.s32 $0xFFFFE000  }
0x135: {  	_ =	swait.ge [sflag:s25], $0x80  }
0x136: {  	[sflag:s25] =	ssyncset.done $0x0  }
0x137: {  	[sflag:s25] =	ssyncadd.s32 $0xFFFFFF80  }
0x138: {  	_ =	swait.ge [sflag:s24], $0x2000  }
0x139: {  	[sflag:s24] =	ssyncset.done $0x0  }
0x13a: {  	[sflag:s24] =	ssyncadd.s32 $0xFFFFE000  }
0x13b: {  	_ =	swait.ge [sflag:s25], $0x80  }
0x13c: {  	[sflag:s25] =	ssyncset.done $0x0  }
0x13d: {  	[sflag:s25] =	ssyncadd.s32 $0xFFFFFF80  }
0x13e: {  	_ =	swait.ge [sflag:s24], $0x2000  }
0x13f: {  	[sflag:s24] =	ssyncset.done $0x0  }
0x140: {  	[sflag:s24] =	ssyncadd.s32 $0xFFFFE000  }
0x141: {  	_ =	swait.ge [sflag:s25], $0x80  }
0x142: {  	[sflag:s25] =	ssyncset.done $0x0  }
0x143: {  	[sflag:s25] =	ssyncadd.s32 $0xFFFFFF80  }
0x144: {  	_ =	swait.ge [sflag:s24], $0x2000  }
0x145: {  	[sflag:s24] =	ssyncset.done $0x0  }
0x146: {  	[sflag:s24] =	ssyncadd.s32 $0xFFFFE000  }
0x147: {  	_ =	swait.ge [sflag:s25], $0x80  }
0x148: {  	[sflag:s25] =	ssyncset.done $0x0  }
0x149: {  	[sflag:s25] =	ssyncadd.s32 $0xFFFFFF80  }
0x14a: {  	_ =	swait.ge [sflag:s24], $0x2000  }
0x14b: {  	[sflag:s24] =	ssyncset.done $0x0  }
0x14c: {  	[sflag:s24] =	ssyncadd.s32 $0xFFFFE000  }
0x14d: {  	_ =	swait.ge [sflag:s25], $0x80  }
0x14e: {  	[sflag:s25] =	ssyncset.done $0x0  }
0x14f: {  	[sflag:s25] =	ssyncadd.s32 $0xFFFFFF80  }
0x150: {  	_ =	swait.ge [sflag:s24], $0x2000  }
0x151: {  	[sflag:s24] =	ssyncset.done $0x0  }
0x152: {  	[sflag:s24] =	ssyncadd.s32 $0xFFFFE000  }
0x153: {  	_ =	swait.ge [sflag:s25], $0x80  }
0x154: {  	[sflag:s25] =	ssyncset.done $0x0  }
0x155: {  	[sflag:s25] =	ssyncadd.s32 $0xFFFFFF80  }
0x156: {  	[hbm4b:s29+s4] =	stream.linear.scatter [tilespmem:s14], [sflag:$0x3], $0x14000, $0x38;
	[tilespmem:$0x15E80] =	vst v63  }
0x157: {  	_ =	swait.ge [sflag:s12], $0x14000  }
0x158: {  	[sflag:s12] =	ssyncset.done $0x0  }
0x159: {  	[sflag:s12] =	ssyncadd.s32 $0xFFFEC000  }
0x15a: {  	[hbm4b:s28+s4] =	stream.linear.scatter [tilespmem:s15], [sflag:$0x3], $0x500, $0x38;
	[tilespmem:$0x15E80] =	vst v63  }
0x15b: {  	_ =	swait.ge [sflag:s12], $0x500  }
0x15c: {  	[sflag:s12] =	ssyncset.done $0x0  }
0x15d: {  	[sflag:s12] =	ssyncadd.s32 $0xFFFFFB00  }
0x15e: {  	s1 =	simm.s32 @!p0 $0x15E00;
	s0 =	simm.s32 @!p0 $0x0;
	s2 =	rddreg [dreg:$0x1]  }
0x15f: {  	[tilespmem:s1], [sflag:$0x3] =	stream.linear.gather @!p0 [hbm4b:s2+s0], $0x80, $0x38;
	[tilespmem:$0x15E80] =	vst v63  }
0x160: {  	s2 =	simm.s32 @!p0 $0x3  }
0x161: {  	_ =	swait.ge @!p0 [sflag:s2], $0x80  }
0x162: {  	s6 =	simm.s32 @!p0 $0x80;
	[sflag:s2] =	ssyncset.done @!p0 $0x0  }
0x163: {  	s29 =	simm.s32 @!p0 $0x1;
	s28 =	simm.s32 @!p0 $0x1900;
	[sflag:s2] =	ssyncadd.s32 @!p0 $0xFFFFFF80  }
0x164: {  	[tilespmem:s28], [sflag:$0x1] =	stream.indirect.gather @!p0 [hbm4b:s5+s6], $0x40, s1, s6, $0xb8;
	[tilespmem:$0x15E80] =	vst v63  }
0x165: {  	_ =	swait.ge @!p0 [sflag:s29], $0x2000  }
0x166: {  	[sflag:s29] =	ssyncset.done @!p0 $0x0  }
0x167: {  	[sflag:s29] =	ssyncadd.s32 @!p0 $0xFFFFE000;
	s29 =	rddreg [dreg:$0xe]  }
0x168: {  	[hbm4b:s29+s0] =	stream.linear.scatter @!p0 [tilespmem:s28], [sflag:$0x3], $0x2000, $0x38;
	[tilespmem:$0x15E80] =	vst v63  }
0x169: {  	_ =	swait.ge @!p0 [sflag:s2], $0x2000  }
0x16a: {  	[sflag:s2] =	ssyncset.done @!p0 $0x0  }
0x16b: {  	s28 =	simm.s32 @!p0 $0x15900;
	[sflag:s2] =	ssyncadd.s32 @!p0 $0xFFFFE000  }
0x16c: {  	[tilespmem:s28], [sflag:$0x2] =	stream.indirect.gather @!p0 [hbm4b:s3+s6], $0x1, s1, s6, $0xb8;
	[tilespmem:$0x15E80] =	vst v63  }
0x16d: {  	s1 =	simm.s32 @!p0 $0x2  }
0x16e: {  	s26 =	sadd.s32 $0x1, s26;
	_ =	swait.ge @!p0 [sflag:s1], $0x80  }
0x16f: {  	p1 =	sne.s32 s26, s9;
	[sflag:s1] =	ssyncset.done @!p0 $0x0  }
.Ltmp1:
0x170: {  	[sflag:s1] =	ssyncadd.s32 @!p0 $0xFFFFFF80;
	(pc) =	sbr.rel @p1 .LBB2_1-.Ltmp1, $4  }
0x171: {  	[hbm4b:s7+s0] =	stream.linear.scatter @!p0 [tilespmem:s28], [sflag:$0x3], $0x80, $0x38;
	[tilespmem:$0x15E80] =	vst v63  }
0x172: {  	_ =	swait.ge @!p0 [sflag:s2], $0x80  }
0x173: {  	[sflag:s2] =	ssyncset.done @!p0 $0x0  }
0x174: {  	[sflag:s2] =	ssyncadd.s32 @!p0 $0xFFFFFF80  }
0x175: {  	_ =	sfence.sel $0x180000  }
0x176: {  	[bflag:$0x0] =	sbarrier.arrive $0xFFFF  }
0x177: {  	_ =	strace $0x90000047  }
0x178: {  	s0 =	stileid.u32;
	[bflag:$0x2] =	sbarrier.arrive $0xFFFF  }
0x179: {  	p0 =	sne.s32 s0, $0x0;
	s0 =	rddreg [dreg:$0x3]  }
0x17a: {  	s0 =	sadd.s32 @!p0 $0x100000, s0  }
0x17b: {  	[sflag:s0] =	ssyncadd.tile.s32 @!p0 $0x1;
	_ =	shalt  }
.Lfunc_end2:
_tile_overlayer_lowered:
.L_overlay_start_2:
0x17c: {  	(tag) =	ssettag $0x2  }
0x17d: {  	s0 =	rddreg [dreg:$0x0];
	s2 =	stileid.u32  }
0x17e: {  	s1 =	rddreg [dreg:$0x1];
	p0 =	sne.s32 s2, $0x0  }
0x17f: {  	s3 =	rddreg [dreg:$0x2];
	[bflag:$0x3] =	sbarrier.arrive $0xFFFF;
	s2 =	simm.s32 @!p0 $0x1C03  }
0x180: {  	[timem:s3], [sflag:s2] =	dma.local @!p0 [hbm:s0], s1  }
0x181: {  	s0 =	simm.s32 @!p0 $0x3  }
0x182: {  	_ =	swait.ge @!p0 [sflag:s0], s1  }
0x183: {  	s1 =	ssub.s32 @!p0 $0x0, s1;
	[sflag:s0] =	ssyncset.done @!p0 $0x0  }
0x184: {  	[sflag:s0] =	ssyncadd.s32 @!p0 s1  }
0x185: {  	[bflag:$0x3] =	sbarrier.arrive $0xFFFF  }
0x186: {  	_ =	shalt  }

</sc_bundles>
